<compile_context>
chip_gen: v7x
topology: tpu7x:2x2x1
jax: 0.10.2.dev20260603
libtpu: 0.0.44.dev20260713+nightly
codegen_flags: <defaults>
</compile_context>

<pallas_src>
import functools

import jax
import jax.numpy as jnp
from jax import lax
from jax.experimental import pallas as pl
from jax.experimental.pallas import tpu as pltpu
from jax.experimental.pallas import tpu_sc as plsc

K = 8192
C = 32
BM = 1024
BJ = 8192


def _argmin_kernel(x_ref, e_ref, idx_ref):
    x = x_ref[...]
    ones = jnp.full((BM, 1), -1.0, jnp.float32)
    xa = jnp.concatenate([x * 2.0, ones], axis=1).astype(jnp.bfloat16)
    lanes = 128
    grp = BJ // lanes

    def body(j, carry):
        best, bestg = carry
        e = e_ref[pl.ds(j * BJ, BJ), :]
        e2 = jnp.sum(e * e, axis=1, keepdims=True)
        ea = jnp.concatenate([e, e2], axis=1).astype(jnp.bfloat16)
        t = lax.dot_general(xa, ea, (((1,), (1,)), ((), ())),
                            preferred_element_type=jnp.float32)
        for k in range(grp):
            tk = lax.slice(t, (0, k * lanes), (BM, (k + 1) * lanes))
            g = j * grp + k
            upd = tk > best
            best = jnp.where(upd, tk, best)
            bestg = jnp.where(upd, g, bestg)
        return best, bestg

    best0 = jnp.full((BM, lanes), -jnp.inf, jnp.float32)
    bestg0 = jnp.zeros((BM, lanes), jnp.int32)
    best, bestg = lax.fori_loop(0, K // BJ, body, (best0, bestg0))
    maxv = jnp.max(best, axis=1, keepdims=True)
    lane = lax.broadcasted_iota(jnp.int32, (BM, lanes), 1)
    col = bestg * lanes + lane
    idx_ref[...] = jnp.min(jnp.where(best == maxv, col,
                                     jnp.int32(2**31 - 1)), axis=1)


def _compute_indices(flat, embedding):
    n = flat.shape[0]
    return pl.pallas_call(
        _argmin_kernel,
        grid=(n // BM,),
        in_specs=[
            pl.BlockSpec((BM, C), lambda r: (r, 0)),
            pl.BlockSpec((K, C), lambda r: (0, 0)),
        ],
        out_specs=pl.BlockSpec((BM,), lambda r: (r,)),
        out_shape=jax.ShapeDtypeStruct((n,), jnp.int32),
        compiler_params=pltpu.CompilerParams(
            dimension_semantics=("arbitrary",)),
    )(flat, embedding)


def _make_gather(n_rows):
    info = plsc.get_sparse_core_info()
    nw = info.num_cores * info.num_subcores
    per_w = n_rows // nw
    kc = per_w // 128
    mesh = plsc.VectorSubcoreMesh(core_axis_name="c", subcore_axis_name="s")

    @functools.partial(
        pl.kernel, mesh=mesh,
        compiler_params=pltpu.CompilerParams(use_tc_tiling_on_sc=False),
        out_type=jax.ShapeDtypeStruct((n_rows, C), jnp.float32),
        scratch_types=[
            pltpu.VMEM((kc, 128), jnp.int32),
            pltpu.VMEM((per_w, C), jnp.float32),
            pltpu.SemaphoreType.DMA,
        ],
    )
    def gather(table_hbm, idx_hbm, out_hbm, idx_v, rows_v, sem):
        wid = lax.axis_index("s") * info.num_cores + lax.axis_index("c")
        pltpu.sync_copy(idx_hbm.at[pl.ds(wid * kc, kc)], idx_v)
        copies = [
            pltpu.async_copy(table_hbm.at[idx_v.at[k]],
                             rows_v.at[pl.ds(k * 128, 128)], sem)
            for k in range(kc)
        ]
        for cp in copies:
            cp.wait()
        pltpu.sync_copy(rows_v, out_hbm.at[pl.ds(wid * per_w, per_w)])

    return gather


def _ste_kernel(x_ref, q_ref, o_ref):
    x = x_ref[...]
    q = q_ref[...]
    eye = (lax.broadcasted_iota(jnp.int32, (C, C), 0) ==
           lax.broadcasted_iota(jnp.int32, (C, C), 1)).astype(jnp.float32)
    qt = lax.dot_general(eye, q, (((1,), (1,)), ((), ())),
                         precision=lax.Precision.HIGHEST,
                         preferred_element_type=jnp.float32)
    o_ref[...] = x + (qt - x)


def _ste(inputs, q):
    B, Cc, L = inputs.shape
    return pl.pallas_call(
        _ste_kernel,
        grid=(B,),
        in_specs=[
            pl.BlockSpec((None, Cc, L), lambda b: (b, 0, 0)),
            pl.BlockSpec((None, L, Cc), lambda b: (b, 0, 0)),
        ],
        out_specs=pl.BlockSpec((None, Cc, L), lambda b: (b, 0, 0)),
        out_shape=jax.ShapeDtypeStruct((B, Cc, L), jnp.float32),
    )(inputs, q)


def kernel(inputs, embedding):
    B, Cc, L = inputs.shape
    flat = jnp.transpose(inputs, (0, 2, 1)).reshape(-1, Cc)
    idx = _compute_indices(flat, embedding)
    gather = _make_gather(B * L)
    qflat = gather(embedding, idx.reshape(-1, 128))
    quant = _ste(inputs, qflat.reshape(B, L, Cc))
    return quant, idx[:, None]

# --- scband reference (transcript-rebuilt; emitter-appended) ---
"""Pipeline reference for scband-vector-quantizer-76433237999928 (READ-ONLY COPY).

The authoritative reference and input builder live on the scoring server;
editing this copy changes nothing except your own understanding.
"""

import jax, jax.numpy as jnp
import numpy as np

NUM_EMBEDDINGS = 8192
EMBEDDING_DIM = 32

def setup_inputs(seed: int = 0) -> dict:
    key = jax.random.key(seed)
    k1, k2 = jax.random.split(key)
    inputs = jax.random.normal(k1, (16, EMBEDDING_DIM, 1024), dtype=jnp.float32)
    # nn.Embedding weight initialized uniform(-1/K, 1/K)
    embedding = jax.random.uniform(k2, (NUM_EMBEDDINGS, EMBEDDING_DIM), dtype=jnp.float32,
                                   minval=-1.0 / NUM_EMBEDDINGS, maxval=1.0 / NUM_EMBEDDINGS)
    return {"inputs": inputs, "embedding": embedding}

def reference(inputs, embedding):
    B, C, L = inputs.shape
    # transpose(1,2).contiguous().view(-1, embedding_dim)
    flat_input = jnp.transpose(inputs, (0, 2, 1)).reshape(-1, C)
    distances = (jnp.sum(flat_input ** 2, axis=1, keepdims=True)
                 + jnp.sum(embedding ** 2, axis=1)
                 - 2.0 * jnp.matmul(flat_input, embedding.T))
    encoding_indices = jnp.argmin(distances, axis=1)[:, None]
    # one-hot @ embedding is equivalent to a gather (SparseCore-friendly)
    quantized = jnp.take(embedding, encoding_indices[:, 0], axis=0)
    quantized = quantized.reshape(B, L, C)
    quantized = jnp.transpose(quantized, (0, 2, 1))
    # straight-through estimator
    quantized = inputs + jax.lax.stop_gradient(quantized - inputs)
    return (quantized, encoding_indices)

if __name__ == "__main__":
    import jax
    _d = setup_inputs()
    print(jax.jit(kernel)(*tuple(_d.values())))

</pallas_src>

<mosaic_0001>
#map = affine_map<(d0, d1) -> (0, 0)>
module attributes {stable_mosaic.version = 14 : i64} {
  func.func @gather(%arg0: i32, %arg1: i32, %arg2: memref<8192x32xf32, #tpu.memory_space<hbm>>, %arg3: memref<128x128xi32, #tpu.memory_space<hbm>>, %arg4: memref<16384x32xf32, #tpu.memory_space<hbm>>, %arg5: memref<4x128xi32, #tpu.memory_space<vmem>>, %arg6: memref<512x32xf32, #tpu.memory_space<vmem>>, %arg7: memref<!tpu.dma_semaphore, #tpu.memory_space<semaphore_mem>>) attributes {dimension_semantics = [#tpu.dimension_semantics<core_parallel>, #tpu.dimension_semantics<subcore_parallel>], iteration_bounds = array<i64: 2, 16>, scalar_prefetch = 0 : i64, scratch_operands = 3 : i64, tpu.core_type = #tpu.core_type<sc_vector_subcore>, window_params = [{transform_indices = #map}, {transform_indices = #map}, {transform_indices = #map}]} {
    %mul3A = arith.constant 2 : i32
    %mul3A_0 = arith.muli %arg1, %mul3A : i32
    %add3A = arith.addi %mul3A_0, %arg0 : i32
    %mul3A_1 = arith.constant 4 : i32
    %mul3A_2 = arith.muli %add3A, %mul3A_1 : i32
    "tpu.region"() ({
      %run_scoped3A = tpu.sem_alloc : memref<!tpu.dma_semaphore, #tpu.memory_space<semaphore_mem>>
      %dma_start3A_83 = arith.constant 0 : i32
      %dma_start3A_84 = tpu.memref_slice %arg3[%mul3A_2, %dma_start3A_83] : memref<128x128xi32, #tpu.memory_space<hbm>> -> memref<4x128xi32, #tpu.memory_space<hbm>>
      %dma_start3A_85 = arith.constant 0 : i32
      %dma_start3A_86 = tpu.memref_slice %arg3[%mul3A_2, %dma_start3A_85] : memref<128x128xi32, #tpu.memory_space<hbm>> -> memref<4x128xi32, #tpu.memory_space<hbm>>
      tpu.enqueue_dma source(%dma_start3A_86 : memref<4x128xi32, #tpu.memory_space<hbm>>) target(%arg5 : memref<4x128xi32, #tpu.memory_space<vmem>>) target_semaphore(%run_scoped3A : memref<!tpu.dma_semaphore, #tpu.memory_space<semaphore_mem>>)
      %dma_wait3A_87 = arith.constant 0 : i32
      %dma_wait3A_88 = tpu.memref_slice %arg3[%mul3A_2, %dma_wait3A_87] : memref<128x128xi32, #tpu.memory_space<hbm>> -> memref<4x128xi32, #tpu.memory_space<hbm>>
      %dma_wait3A_89 = arith.constant 0 : i32
      %dma_wait3A_90 = tpu.memref_slice %arg3[%mul3A_2, %dma_wait3A_89] : memref<128x128xi32, #tpu.memory_space<hbm>> -> memref<4x128xi32, #tpu.memory_space<hbm>>
      tpu.wait_dma2 semaphore(%run_scoped3A : memref<!tpu.dma_semaphore, #tpu.memory_space<semaphore_mem>>) src(%dma_wait3A_90 : memref<4x128xi32, #tpu.memory_space<hbm>>) dst(%arg5 : memref<4x128xi32, #tpu.memory_space<vmem>>)
      tpu.yield
    }) : () -> ()
    %dma_start3A = arith.constant 0 : i32
    %dma_start3A_3 = arith.constant 0 : i32
    %dma_start3A_4 = arith.constant 0 : i32
    %dma_start3A_5 = tpu.memref_slice %arg6[%dma_start3A_3, %dma_start3A_4] : memref<512x32xf32, #tpu.memory_space<vmem>> -> memref<128x32xf32, #tpu.memory_space<vmem>>
    %dma_start3A_6 = arith.constant 0 : i32
    %dma_start3A_7 = tpu.memref_slice %arg5[%dma_start3A, %dma_start3A_6] : memref<4x128xi32, #tpu.memory_space<vmem>> -> memref<1x128xi32, #tpu.memory_space<vmem>>
    %dma_start3A_8 = tpu.memref_squeeze %dma_start3A_7 : memref<1x128xi32, #tpu.memory_space<vmem>> -> memref<128xi32, #tpu.memory_space<vmem>>
    %dma_start3A_9 = arith.constant 0 : i32
    %dma_start3A_10 = arith.constant 0 : i32
    %dma_start3A_11 = tpu.memref_slice %arg2[%dma_start3A_9, %dma_start3A_10] : memref<8192x32xf32, #tpu.memory_space<hbm>> -> memref<8192x32xf32, #tpu.memory_space<hbm>>
    tpu.enqueue_indirect_dma source(%dma_start3A_11 : memref<8192x32xf32, #tpu.memory_space<hbm>>) target(%dma_start3A_5 : memref<128x32xf32, #tpu.memory_space<vmem>>) offsets(%dma_start3A_8 : memref<128xi32, #tpu.memory_space<vmem>>) semaphore(%arg7 : memref<!tpu.dma_semaphore, #tpu.memory_space<semaphore_mem>>)
    %dma_start3A_12 = arith.constant 1 : i32
    %dma_start3A_13 = arith.constant 128 : i32
    %dma_start3A_14 = arith.constant 0 : i32
    %dma_start3A_15 = tpu.memref_slice %arg6[%dma_start3A_13, %dma_start3A_14] : memref<512x32xf32, #tpu.memory_space<vmem>> -> memref<128x32xf32, #tpu.memory_space<vmem>>
    %dma_start3A_16 = arith.constant 0 : i32
    %dma_start3A_17 = tpu.memref_slice %arg5[%dma_start3A_12, %dma_start3A_16] : memref<4x128xi32, #tpu.memory_space<vmem>> -> memref<1x128xi32, #tpu.memory_space<vmem>>
    %dma_start3A_18 = tpu.memref_squeeze %dma_start3A_17 : memref<1x128xi32, #tpu.memory_space<vmem>> -> memref<128xi32, #tpu.memory_space<vmem>>
    %dma_start3A_19 = arith.constant 0 : i32
    %dma_start3A_20 = arith.constant 0 : i32
    %dma_start3A_21 = tpu.memref_slice %arg2[%dma_start3A_19, %dma_start3A_20] : memref<8192x32xf32, #tpu.memory_space<hbm>> -> memref<8192x32xf32, #tpu.memory_space<hbm>>
    tpu.enqueue_indirect_dma source(%dma_start3A_21 : memref<8192x32xf32, #tpu.memory_space<hbm>>) target(%dma_start3A_15 : memref<128x32xf32, #tpu.memory_space<vmem>>) offsets(%dma_start3A_18 : memref<128xi32, #tpu.memory_space<vmem>>) semaphore(%arg7 : memref<!tpu.dma_semaphore, #tpu.memory_space<semaphore_mem>>)
    %dma_start3A_22 = arith.constant 2 : i32
    %dma_start3A_23 = arith.constant 256 : i32
    %dma_start3A_24 = arith.constant 0 : i32
    %dma_start3A_25 = tpu.memref_slice %arg6[%dma_start3A_23, %dma_start3A_24] : memref<512x32xf32, #tpu.memory_space<vmem>> -> memref<128x32xf32, #tpu.memory_space<vmem>>
    %dma_start3A_26 = arith.constant 0 : i32
    %dma_start3A_27 = tpu.memref_slice %arg5[%dma_start3A_22, %dma_start3A_26] : memref<4x128xi32, #tpu.memory_space<vmem>> -> memref<1x128xi32, #tpu.memory_space<vmem>>
    %dma_start3A_28 = tpu.memref_squeeze %dma_start3A_27 : memref<1x128xi32, #tpu.memory_space<vmem>> -> memref<128xi32, #tpu.memory_space<vmem>>
    %dma_start3A_29 = arith.constant 0 : i32
    %dma_start3A_30 = arith.constant 0 : i32
    %dma_start3A_31 = tpu.memref_slice %arg2[%dma_start3A_29, %dma_start3A_30] : memref<8192x32xf32, #tpu.memory_space<hbm>> -> memref<8192x32xf32, #tpu.memory_space<hbm>>
    tpu.enqueue_indirect_dma source(%dma_start3A_31 : memref<8192x32xf32, #tpu.memory_space<hbm>>) target(%dma_start3A_25 : memref<128x32xf32, #tpu.memory_space<vmem>>) offsets(%dma_start3A_28 : memref<128xi32, #tpu.memory_space<vmem>>) semaphore(%arg7 : memref<!tpu.dma_semaphore, #tpu.memory_space<semaphore_mem>>)
    %dma_start3A_32 = arith.constant 3 : i32
    %dma_start3A_33 = arith.constant 384 : i32
    %dma_start3A_34 = arith.constant 0 : i32
    %dma_start3A_35 = tpu.memref_slice %arg6[%dma_start3A_33, %dma_start3A_34] : memref<512x32xf32, #tpu.memory_space<vmem>> -> memref<128x32xf32, #tpu.memory_space<vmem>>
    %dma_start3A_36 = arith.constant 0 : i32
    %dma_start3A_37 = tpu.memref_slice %arg5[%dma_start3A_32, %dma_start3A_36] : memref<4x128xi32, #tpu.memory_space<vmem>> -> memref<1x128xi32, #tpu.memory_space<vmem>>
    %dma_start3A_38 = tpu.memref_squeeze %dma_start3A_37 : memref<1x128xi32, #tpu.memory_space<vmem>> -> memref<128xi32, #tpu.memory_space<vmem>>
    %dma_start3A_39 = arith.constant 0 : i32
    %dma_start3A_40 = arith.constant 0 : i32
    %dma_start3A_41 = tpu.memref_slice %arg2[%dma_start3A_39, %dma_start3A_40] : memref<8192x32xf32, #tpu.memory_space<hbm>> -> memref<8192x32xf32, #tpu.memory_space<hbm>>
    tpu.enqueue_indirect_dma source(%dma_start3A_41 : memref<8192x32xf32, #tpu.memory_space<hbm>>) target(%dma_start3A_35 : memref<128x32xf32, #tpu.memory_space<vmem>>) offsets(%dma_start3A_38 : memref<128xi32, #tpu.memory_space<vmem>>) semaphore(%arg7 : memref<!tpu.dma_semaphore, #tpu.memory_space<semaphore_mem>>)
    %dma_wait3A = arith.constant 0 : i32
    %dma_wait3A_42 = arith.constant 0 : i32
    %dma_wait3A_43 = arith.constant 0 : i32
    %dma_wait3A_44 = tpu.memref_slice %arg6[%dma_wait3A_42, %dma_wait3A_43] : memref<512x32xf32, #tpu.memory_space<vmem>> -> memref<128x32xf32, #tpu.memory_space<vmem>>
    %dma_wait3A_45 = arith.constant 0 : i32
    %dma_wait3A_46 = tpu.memref_slice %arg5[%dma_wait3A, %dma_wait3A_45] : memref<4x128xi32, #tpu.memory_space<vmem>> -> memref<1x128xi32, #tpu.memory_space<vmem>>
    %dma_wait3A_47 = tpu.memref_squeeze %dma_wait3A_46 : memref<1x128xi32, #tpu.memory_space<vmem>> -> memref<128xi32, #tpu.memory_space<vmem>>
    %dma_wait3A_48 = arith.constant 0 : i32
    %dma_wait3A_49 = arith.constant 0 : i32
    %dma_wait3A_50 = tpu.memref_slice %arg2[%dma_wait3A_48, %dma_wait3A_49] : memref<8192x32xf32, #tpu.memory_space<hbm>> -> memref<8192x32xf32, #tpu.memory_space<hbm>>
    tpu.wait_indirect_dma semaphore(%arg7 : memref<!tpu.dma_semaphore, #tpu.memory_space<semaphore_mem>>) src(%dma_wait3A_50 : memref<8192x32xf32, #tpu.memory_space<hbm>>) dst(%dma_wait3A_44 : memref<128x32xf32, #tpu.memory_space<vmem>>)
    %dma_wait3A_51 = arith.constant 1 : i32
    %dma_wait3A_52 = arith.constant 128 : i32
    %dma_wait3A_53 = arith.constant 0 : i32
    %dma_wait3A_54 = tpu.memref_slice %arg6[%dma_wait3A_52, %dma_wait3A_53] : memref<512x32xf32, #tpu.memory_space<vmem>> -> memref<128x32xf32, #tpu.memory_space<vmem>>
    %dma_wait3A_55 = arith.constant 0 : i32
    %dma_wait3A_56 = tpu.memref_slice %arg5[%dma_wait3A_51, %dma_wait3A_55] : memref<4x128xi32, #tpu.memory_space<vmem>> -> memref<1x128xi32, #tpu.memory_space<vmem>>
    %dma_wait3A_57 = tpu.memref_squeeze %dma_wait3A_56 : memref<1x128xi32, #tpu.memory_space<vmem>> -> memref<128xi32, #tpu.memory_space<vmem>>
    %dma_wait3A_58 = arith.constant 0 : i32
    %dma_wait3A_59 = arith.constant 0 : i32
    %dma_wait3A_60 = tpu.memref_slice %arg2[%dma_wait3A_58, %dma_wait3A_59] : memref<8192x32xf32, #tpu.memory_space<hbm>> -> memref<8192x32xf32, #tpu.memory_space<hbm>>
    tpu.wait_indirect_dma semaphore(%arg7 : memref<!tpu.dma_semaphore, #tpu.memory_space<semaphore_mem>>) src(%dma_wait3A_60 : memref<8192x32xf32, #tpu.memory_space<hbm>>) dst(%dma_wait3A_54 : memref<128x32xf32, #tpu.memory_space<vmem>>)
    %dma_wait3A_61 = arith.constant 2 : i32
    %dma_wait3A_62 = arith.constant 256 : i32
    %dma_wait3A_63 = arith.constant 0 : i32
    %dma_wait3A_64 = tpu.memref_slice %arg6[%dma_wait3A_62, %dma_wait3A_63] : memref<512x32xf32, #tpu.memory_space<vmem>> -> memref<128x32xf32, #tpu.memory_space<vmem>>
    %dma_wait3A_65 = arith.constant 0 : i32
    %dma_wait3A_66 = tpu.memref_slice %arg5[%dma_wait3A_61, %dma_wait3A_65] : memref<4x128xi32, #tpu.memory_space<vmem>> -> memref<1x128xi32, #tpu.memory_space<vmem>>
    %dma_wait3A_67 = tpu.memref_squeeze %dma_wait3A_66 : memref<1x128xi32, #tpu.memory_space<vmem>> -> memref<128xi32, #tpu.memory_space<vmem>>
    %dma_wait3A_68 = arith.constant 0 : i32
    %dma_wait3A_69 = arith.constant 0 : i32
    %dma_wait3A_70 = tpu.memref_slice %arg2[%dma_wait3A_68, %dma_wait3A_69] : memref<8192x32xf32, #tpu.memory_space<hbm>> -> memref<8192x32xf32, #tpu.memory_space<hbm>>
    tpu.wait_indirect_dma semaphore(%arg7 : memref<!tpu.dma_semaphore, #tpu.memory_space<semaphore_mem>>) src(%dma_wait3A_70 : memref<8192x32xf32, #tpu.memory_space<hbm>>) dst(%dma_wait3A_64 : memref<128x32xf32, #tpu.memory_space<vmem>>)
    %dma_wait3A_71 = arith.constant 3 : i32
    %dma_wait3A_72 = arith.constant 384 : i32
    %dma_wait3A_73 = arith.constant 0 : i32
    %dma_wait3A_74 = tpu.memref_slice %arg6[%dma_wait3A_72, %dma_wait3A_73] : memref<512x32xf32, #tpu.memory_space<vmem>> -> memref<128x32xf32, #tpu.memory_space<vmem>>
    %dma_wait3A_75 = arith.constant 0 : i32
    %dma_wait3A_76 = tpu.memref_slice %arg5[%dma_wait3A_71, %dma_wait3A_75] : memref<4x128xi32, #tpu.memory_space<vmem>> -> memref<1x128xi32, #tpu.memory_space<vmem>>
    %dma_wait3A_77 = tpu.memref_squeeze %dma_wait3A_76 : memref<1x128xi32, #tpu.memory_space<vmem>> -> memref<128xi32, #tpu.memory_space<vmem>>
    %dma_wait3A_78 = arith.constant 0 : i32
    %dma_wait3A_79 = arith.constant 0 : i32
    %dma_wait3A_80 = tpu.memref_slice %arg2[%dma_wait3A_78, %dma_wait3A_79] : memref<8192x32xf32, #tpu.memory_space<hbm>> -> memref<8192x32xf32, #tpu.memory_space<hbm>>
    tpu.wait_indirect_dma semaphore(%arg7 : memref<!tpu.dma_semaphore, #tpu.memory_space<semaphore_mem>>) src(%dma_wait3A_80 : memref<8192x32xf32, #tpu.memory_space<hbm>>) dst(%dma_wait3A_74 : memref<128x32xf32, #tpu.memory_space<vmem>>)
    %mul3A_81 = arith.constant 512 : i32
    %mul3A_82 = arith.muli %add3A, %mul3A_81 : i32
    "tpu.region"() ({
      %run_scoped3A = tpu.sem_alloc : memref<!tpu.dma_semaphore, #tpu.memory_space<semaphore_mem>>
      %dma_start3A_83 = arith.constant 0 : i32
      %dma_start3A_84 = tpu.memref_slice %arg4[%mul3A_82, %dma_start3A_83] : memref<16384x32xf32, #tpu.memory_space<hbm>> -> memref<512x32xf32, #tpu.memory_space<hbm>>
      %dma_start3A_85 = arith.constant 0 : i32
      %dma_start3A_86 = tpu.memref_slice %arg4[%mul3A_82, %dma_start3A_85] : memref<16384x32xf32, #tpu.memory_space<hbm>> -> memref<512x32xf32, #tpu.memory_space<hbm>>
      tpu.enqueue_dma source(%arg6 : memref<512x32xf32, #tpu.memory_space<vmem>>) target(%dma_start3A_86 : memref<512x32xf32, #tpu.memory_space<hbm>>) target_semaphore(%run_scoped3A : memref<!tpu.dma_semaphore, #tpu.memory_space<semaphore_mem>>)
      %dma_wait3A_87 = arith.constant 0 : i32
      %dma_wait3A_88 = tpu.memref_slice %arg4[%mul3A_82, %dma_wait3A_87] : memref<16384x32xf32, #tpu.memory_space<hbm>> -> memref<512x32xf32, #tpu.memory_space<hbm>>
      %dma_wait3A_89 = arith.constant 0 : i32
      %dma_wait3A_90 = tpu.memref_slice %arg4[%mul3A_82, %dma_wait3A_89] : memref<16384x32xf32, #tpu.memory_space<hbm>> -> memref<512x32xf32, #tpu.memory_space<hbm>>
      tpu.wait_dma2 semaphore(%run_scoped3A : memref<!tpu.dma_semaphore, #tpu.memory_space<semaphore_mem>>) src(%arg6 : memref<512x32xf32, #tpu.memory_space<vmem>>) dst(%dma_wait3A_90 : memref<512x32xf32, #tpu.memory_space<hbm>>)
      tpu.yield
    }) : () -> ()
    return
  }
}

module attributes {stable_mosaic.version = 14 : i64} {
  func.func @_argmin_kernel(%arg0: i32, %arg1: memref<1024x32xf32, #tpu.memory_space<vmem>>, %arg2: memref<8192x32xf32, #tpu.memory_space<vmem>>, %arg3: memref<1024xi32, #tpu.memory_space<vmem>>) attributes {dimension_semantics = [#tpu.dimension_semantics<arbitrary>], iteration_bounds = array<i64: 16>, scalar_prefetch = 0 : i64, scratch_operands = 0 : i64, tpu.core_type = #tpu.core_type<tc>, window_params = [{transform_indices = @transform_0, window_bounds = array<i64: 1024, 32>}, {pipeline_mode = #tpu.pipeline_mode<synchronous>, transform_indices = @transform_1, window_bounds = array<i64: 8192, 32>}, {transform_indices = @transform_2, window_bounds = array<i64: 1024>}]} {
    %get3A = arith.constant 0 : index
    %get3A_0 = arith.constant 0 : index
    %get3A_1 = vector.load %arg1[%get3A, %get3A_0] : memref<1024x32xf32, #tpu.memory_space<vmem>>, vector<1024x32xf32>
    %broadcast_in_dim3A = arith.constant -1.000000e+00 : f32
    %broadcast_in_dim3A_2 = vector.broadcast %broadcast_in_dim3A : f32 to vector<1024x1xf32>
    %mul3A = arith.constant 2.000000e+00 : f32
    %mul3A_3 = vector.broadcast %mul3A : f32 to vector<1024x32xf32>
    %mul3A_4 = arith.mulf %get3A_1, %mul3A_3 : vector<1024x32xf32>
    %concatenate3A = tpu.concatenate %mul3A_4, %broadcast_in_dim3A_2 in 1 : vector<1024x32xf32>, vector<1024x1xf32> -> vector<1024x33xf32>
    %convert_element_type3A = arith.truncf %concatenate3A : vector<1024x33xf32> to vector<1024x33xbf16>
    %broadcast_in_dim3A_5 = arith.constant 0xFF800000 : f32
    %broadcast_in_dim3A_6 = vector.broadcast %broadcast_in_dim3A_5 : f32 to vector<1024x128xf32>
    %broadcast_in_dim3A_7 = arith.constant 0 : i32
    %broadcast_in_dim3A_8 = vector.broadcast %broadcast_in_dim3A_7 : i32 to vector<1024x128xi32>
    %scan3A = arith.constant 0 : i32
    %mul3A_9 = arith.constant 8192 : i32
    %mul3A_10 = arith.muli %scan3A, %mul3A_9 : i32
    %get3A_11 = arith.index_cast %mul3A_10 : i32 to index
    %get3A_12 = arith.constant 0 : index
    %get3A_13 = vector.load %arg2[%get3A_11, %get3A_12] : memref<8192x32xf32, #tpu.memory_space<vmem>>, vector<8192x32xf32>
    %mul3A_14 = arith.mulf %get3A_13, %get3A_13 : vector<8192x32xf32>
    %reduce_sum3A = arith.constant dense<0.000000e+00> : vector<8192xf32>
    %reduce_sum3A_15 = vector.multi_reduction <add>, %mul3A_14, %reduce_sum3A [1] : vector<8192x32xf32> to vector<8192xf32>
    %broadcast_in_dim3A_16 = vector.shape_cast %reduce_sum3A_15 : vector<8192xf32> to vector<8192x1xf32>
    %concatenate3A_17 = tpu.concatenate %get3A_13, %broadcast_in_dim3A_16 in 1 : vector<8192x32xf32>, vector<8192x1xf32> -> vector<8192x33xf32>
    %convert_element_type3A_18 = arith.truncf %concatenate3A_17 : vector<8192x33xf32> to vector<8192x33xbf16>
    %dot_general3A = arith.constant dense<0.000000e+00> : vector<1024x8192xf32>
    %dot_general3A_19 = tpu.matmul %convert_element_type3A, %convert_element_type3A_18, %dot_general3A {dimension_numbers = #tpu.dot_dimension_numbers<[1], [1], [0], [0], [0, 0, 1, 0], [], []>, transpose_lhs_hint = false} : vector<1024x33xbf16>, vector<8192x33xbf16>, vector<1024x8192xf32> -> vector<1024x8192xf32>
    %slice3A = vector.extract_strided_slice %dot_general3A_19 {offsets = [0, 0], sizes = [1024, 128], strides = [1, 1]} : vector<1024x8192xf32> to vector<1024x128xf32>
    %mul3A_20 = arith.constant 64 : i32
    %mul3A_21 = arith.muli %scan3A, %mul3A_20 : i32
    %add3A = arith.constant 0 : i32
    %add3A_22 = arith.addi %mul3A_21, %add3A : i32
    %gt3A = arith.cmpf ogt, %slice3A, %broadcast_in_dim3A_6 : vector<1024x128xf32>
    %select_n3A = arith.select %gt3A, %slice3A, %broadcast_in_dim3A_6 : vector<1024x128xi1>, vector<1024x128xf32>
    %broadcast_in_dim3A_23 = vector.broadcast %add3A_22 : i32 to vector<1024x128xi32>
    %select_n3A_24 = arith.select %gt3A, %broadcast_in_dim3A_23, %broadcast_in_dim3A_8 : vector<1024x128xi1>, vector<1024x128xi32>
    %slice3A_25 = vector.extract_strided_slice %dot_general3A_19 {offsets = [0, 128], sizes = [1024, 128], strides = [1, 1]} : vector<1024x8192xf32> to vector<1024x128xf32>
    %mul3A_26 = arith.constant 64 : i32
    %mul3A_27 = arith.muli %scan3A, %mul3A_26 : i32
    %add3A_28 = arith.constant 1 : i32
    %add3A_29 = arith.addi %mul3A_27, %add3A_28 : i32
    %gt3A_30 = arith.cmpf ogt, %slice3A_25, %select_n3A : vector<1024x128xf32>
    %select_n3A_31 = arith.select %gt3A_30, %slice3A_25, %select_n3A : vector<1024x128xi1>, vector<1024x128xf32>
    %broadcast_in_dim3A_32 = vector.broadcast %add3A_29 : i32 to vector<1024x128xi32>
    %select_n3A_33 = arith.select %gt3A_30, %broadcast_in_dim3A_32, %select_n3A_24 : vector<1024x128xi1>, vector<1024x128xi32>
    %slice3A_34 = vector.extract_strided_slice %dot_general3A_19 {offsets = [0, 256], sizes = [1024, 128], strides = [1, 1]} : vector<1024x8192xf32> to vector<1024x128xf32>
    %mul3A_35 = arith.constant 64 : i32
    %mul3A_36 = arith.muli %scan3A, %mul3A_35 : i32
    %add3A_37 = arith.constant 2 : i32
    %add3A_38 = arith.addi %mul3A_36, %add3A_37 : i32
    %gt3A_39 = arith.cmpf ogt, %slice3A_34, %select_n3A_31 : vector<1024x128xf32>
    %select_n3A_40 = arith.select %gt3A_39, %slice3A_34, %select_n3A_31 : vector<1024x128xi1>, vector<1024x128xf32>
    %broadcast_in_dim3A_41 = vector.broadcast %add3A_38 : i32 to vector<1024x128xi32>
    %select_n3A_42 = arith.select %gt3A_39, %broadcast_in_dim3A_41, %select_n3A_33 : vector<1024x128xi1>, vector<1024x128xi32>
    %slice3A_43 = vector.extract_strided_slice %dot_general3A_19 {offsets = [0, 384], sizes = [1024, 128], strides = [1, 1]} : vector<1024x8192xf32> to vector<1024x128xf32>
    %mul3A_44 = arith.constant 64 : i32
    %mul3A_45 = arith.muli %scan3A, %mul3A_44 : i32
    %add3A_46 = arith.constant 3 : i32
    %add3A_47 = arith.addi %mul3A_45, %add3A_46 : i32
    %gt3A_48 = arith.cmpf ogt, %slice3A_43, %select_n3A_40 : vector<1024x128xf32>
    %select_n3A_49 = arith.select %gt3A_48, %slice3A_43, %select_n3A_40 : vector<1024x128xi1>, vector<1024x128xf32>
    %broadcast_in_dim3A_50 = vector.broadcast %add3A_47 : i32 to vector<1024x128xi32>
    %select_n3A_51 = arith.select %gt3A_48, %broadcast_in_dim3A_50, %select_n3A_42 : vector<1024x128xi1>, vector<1024x128xi32>
    %slice3A_52 = vector.extract_strided_slice %dot_general3A_19 {offsets = [0, 512], sizes = [1024, 128], strides = [1, 1]} : vector<1024x8192xf32> to vector<1024x128xf32>
    %mul3A_53 = arith.constant 64 : i32
    %mul3A_54 = arith.muli %scan3A, %mul3A_53 : i32
    %add3A_55 = arith.constant 4 : i32
    %add3A_56 = arith.addi %mul3A_54, %add3A_55 : i32
    %gt3A_57 = arith.cmpf ogt, %slice3A_52, %select_n3A_49 : vector<1024x128xf32>
    %select_n3A_58 = arith.select %gt3A_57, %slice3A_52, %select_n3A_49 : vector<1024x128xi1>, vector<1024x128xf32>
    %broadcast_in_dim3A_59 = vector.broadcast %add3A_56 : i32 to vector<1024x128xi32>
    %select_n3A_60 = arith.select %gt3A_57, %broadcast_in_dim3A_59, %select_n3A_51 : vector<1024x128xi1>, vector<1024x128xi32>
    %slice3A_61 = vector.extract_strided_slice %dot_general3A_19 {offsets = [0, 640], sizes = [1024, 128], strides = [1, 1]} : vector<1024x8192xf32> to vector<1024x128xf32>
    %mul3A_62 = arith.constant 64 : i32
    %mul3A_63 = arith.muli %scan3A, %mul3A_62 : i32
    %add3A_64 = arith.constant 5 : i32
    %add3A_65 = arith.addi %mul3A_63, %add3A_64 : i32
    %gt3A_66 = arith.cmpf ogt, %slice3A_61, %select_n3A_58 : vector<1024x128xf32>
    %select_n3A_67 = arith.select %gt3A_66, %slice3A_61, %select_n3A_58 : vector<1024x128xi1>, vector<1024x128xf32>
    %broadcast_in_dim3A_68 = vector.broadcast %add3A_65 : i32 to vector<1024x128xi32>
    %select_n3A_69 = arith.select %gt3A_66, %broadcast_in_dim3A_68, %select_n3A_60 : vector<1024x128xi1>, vector<1024x128xi32>
    %slice3A_70 = vector.extract_strided_slice %dot_general3A_19 {offsets = [0, 768], sizes = [1024, 128], strides = [1, 1]} : vector<1024x8192xf32> to vector<1024x128xf32>
    %mul3A_71 = arith.constant 64 : i32
    %mul3A_72 = arith.muli %scan3A, %mul3A_71 : i32
    %add3A_73 = arith.constant 6 : i32
    %add3A_74 = arith.addi %mul3A_72, %add3A_73 : i32
    %gt3A_75 = arith.cmpf ogt, %slice3A_70, %select_n3A_67 : vector<1024x128xf32>
    %select_n3A_76 = arith.select %gt3A_75, %slice3A_70, %select_n3A_67 : vector<1024x128xi1>, vector<1024x128xf32>
    %broadcast_in_dim3A_77 = vector.broadcast %add3A_74 : i32 to vector<1024x128xi32>
    %select_n3A_78 = arith.select %gt3A_75, %broadcast_in_dim3A_77, %select_n3A_69 : vector<1024x128xi1>, vector<1024x128xi32>
    %slice3A_79 = vector.extract_strided_slice %dot_general3A_19 {offsets = [0, 896], sizes = [1024, 128], strides = [1, 1]} : vector<1024x8192xf32> to vector<1024x128xf32>
    %mul3A_80 = arith.constant 64 : i32
    %mul3A_81 = arith.muli %scan3A, %mul3A_80 : i32
    %add3A_82 = arith.constant 7 : i32
    %add3A_83 = arith.addi %mul3A_81, %add3A_82 : i32
    %gt3A_84 = arith.cmpf ogt, %slice3A_79, %select_n3A_76 : vector<1024x128xf32>
    %select_n3A_85 = arith.select %gt3A_84, %slice3A_79, %select_n3A_76 : vector<1024x128xi1>, vector<1024x128xf32>
    %broadcast_in_dim3A_86 = vector.broadcast %add3A_83 : i32 to vector<1024x128xi32>
    %select_n3A_87 = arith.select %gt3A_84, %broadcast_in_dim3A_86, %select_n3A_78 : vector<1024x128xi1>, vector<1024x128xi32>
    %slice3A_88 = vector.extract_strided_slice %dot_general3A_19 {offsets = [0, 1024], sizes = [1024, 128], strides = [1, 1]} : vector<1024x8192xf32> to vector<1024x128xf32>
    %mul3A_89 = arith.constant 64 : i32
    %mul3A_90 = arith.muli %scan3A, %mul3A_89 : i32
    %add3A_91 = arith.constant 8 : i32
    %add3A_92 = arith.addi %mul3A_90, %add3A_91 : i32
    %gt3A_93 = arith.cmpf ogt, %slice3A_88, %select_n3A_85 : vector<1024x128xf32>
    %select_n3A_94 = arith.select %gt3A_93, %slice3A_88, %select_n3A_85 : vector<1024x128xi1>, vector<1024x128xf32>
    %broadcast_in_dim3A_95 = vector.broadcast %add3A_92 : i32 to vector<1024x128xi32>
    %select_n3A_96 = arith.select %gt3A_93, %broadcast_in_dim3A_95, %select_n3A_87 : vector<1024x128xi1>, vector<1024x128xi32>
    %slice3A_97 = vector.extract_strided_slice %dot_general3A_19 {offsets = [0, 1152], sizes = [1024, 128], strides = [1, 1]} : vector<1024x8192xf32> to vector<1024x128xf32>
    %mul3A_98 = arith.constant 64 : i32
    %mul3A_99 = arith.muli %scan3A, %mul3A_98 : i32
    %add3A_100 = arith.constant 9 : i32
    %add3A_101 = arith.addi %mul3A_99, %add3A_100 : i32
    %gt3A_102 = arith.cmpf ogt, %slice3A_97, %select_n3A_94 : vector<1024x128xf32>
    %select_n3A_103 = arith.select %gt3A_102, %slice3A_97, %select_n3A_94 : vector<1024x128xi1>, vector<1024x128xf32>
    %broadcast_in_dim3A_104 = vector.broadcast %add3A_101 : i32 to vector<1024x128xi32>
    %select_n3A_105 = arith.select %gt3A_102, %broadcast_in_dim3A_104, %select_n3A_96 : vector<1024x128xi1>, vector<1024x128xi32>
    %slice3A_106 = vector.extract_strided_slice %dot_general3A_19 {offsets = [0, 1280], sizes = [1024, 128], strides = [1, 1]} : vector<1024x8192xf32> to vector<1024x128xf32>
    %mul3A_107 = arith.constant 64 : i32
    %mul3A_108 = arith.muli %scan3A, %mul3A_107 : i32
    %add3A_109 = arith.constant 10 : i32
    %add3A_110 = arith.addi %mul3A_108, %add3A_109 : i32
    %gt3A_111 = arith.cmpf ogt, %slice3A_106, %select_n3A_103 : vector<1024x128xf32>
    %select_n3A_112 = arith.select %gt3A_111, %slice3A_106, %select_n3A_103 : vector<1024x128xi1>, vector<1024x128xf32>
    %broadcast_in_dim3A_113 = vector.broadcast %add3A_110 : i32 to vector<1024x128xi32>
    %select_n3A_114 = arith.select %gt3A_111, %broadcast_in_dim3A_113, %select_n3A_105 : vector<1024x128xi1>, vector<1024x128xi32>
    %slice3A_115 = vector.extract_strided_slice %dot_general3A_19 {offsets = [0, 1408], sizes = [1024, 128], strides = [1, 1]} : vector<1024x8192xf32> to vector<1024x128xf32>
    %mul3A_116 = arith.constant 64 : i32
    %mul3A_117 = arith.muli %scan3A, %mul3A_116 : i32
    %add3A_118 = arith.constant 11 : i32
    %add3A_119 = arith.addi %mul3A_117, %add3A_118 : i32
    %gt3A_120 = arith.cmpf ogt, %slice3A_115, %select_n3A_112 : vector<1024x128xf32>
    %select_n3A_121 = arith.select %gt3A_120, %slice3A_115, %select_n3A_112 : vector<1024x128xi1>, vector<1024x128xf32>
    %broadcast_in_dim3A_122 = vector.broadcast %add3A_119 : i32 to vector<1024x128xi32>
    %select_n3A_123 = arith.select %gt3A_120, %broadcast_in_dim3A_122, %select_n3A_114 : vector<1024x128xi1>, vector<1024x128xi32>
    %slice3A_124 = vector.extract_strided_slice %dot_general3A_19 {offsets = [0, 1536], sizes = [1024, 128], strides = [1, 1]} : vector<1024x8192xf32> to vector<1024x128xf32>
    %mul3A_125 = arith.constant 64 : i32
    %mul3A_126 = arith.muli %scan3A, %mul3A_125 : i32
    %add3A_127 = arith.constant 12 : i32
    %add3A_128 = arith.addi %mul3A_126, %add3A_127 : i32
    %gt3A_129 = arith.cmpf ogt, %slice3A_124, %select_n3A_121 : vector<1024x128xf32>
    %select_n3A_130 = arith.select %gt3A_129, %slice3A_124, %select_n3A_121 : vector<1024x128xi1>, vector<1024x128xf32>
    %broadcast_in_dim3A_131 = vector.broadcast %add3A_128 : i32 to vector<1024x128xi32>
    %select_n3A_132 = arith.select %gt3A_129, %broadcast_in_dim3A_131, %select_n3A_123 : vector<1024x128xi1>, vector<1024x128xi32>
    %slice3A_133 = vector.extract_strided_slice %dot_general3A_19 {offsets = [0, 1664], sizes = [1024, 128], strides = [1, 1]} : vector<1024x8192xf32> to vector<1024x128xf32>
    %mul3A_134 = arith.constant 64 : i32
    %mul3A_135 = arith.muli %scan3A, %mul3A_134 : i32
    %add3A_136 = arith.constant 13 : i32
    %add3A_137 = arith.addi %mul3A_135, %add3A_136 : i32
    %gt3A_138 = arith.cmpf ogt, %slice3A_133, %select_n3A_130 : vector<1024x128xf32>
    %select_n3A_139 = arith.select %gt3A_138, %slice3A_133, %select_n3A_130 : vector<1024x128xi1>, vector<1024x128xf32>
    %broadcast_in_dim3A_140 = vector.broadcast %add3A_137 : i32 to vector<1024x128xi32>
    %select_n3A_141 = arith.select %gt3A_138, %broadcast_in_dim3A_140, %select_n3A_132 : vector<1024x128xi1>, vector<1024x128xi32>
    %slice3A_142 = vector.extract_strided_slice %dot_general3A_19 {offsets = [0, 1792], sizes = [1024, 128], strides = [1, 1]} : vector<1024x8192xf32> to vector<1024x128xf32>
    %mul3A_143 = arith.constant 64 : i32
    %mul3A_144 = arith.muli %scan3A, %mul3A_143 : i32
    %add3A_145 = arith.constant 14 : i32
    %add3A_146 = arith.addi %mul3A_144, %add3A_145 : i32
    %gt3A_147 = arith.cmpf ogt, %slice3A_142, %select_n3A_139 : vector<1024x128xf32>
    %select_n3A_148 = arith.select %gt3A_147, %slice3A_142, %select_n3A_139 : vector<1024x128xi1>, vector<1024x128xf32>
    %broadcast_in_dim3A_149 = vector.broadcast %add3A_146 : i32 to vector<1024x128xi32>
    %select_n3A_150 = arith.select %gt3A_147, %broadcast_in_dim3A_149, %select_n3A_141 : vector<1024x128xi1>, vector<1024x128xi32>
    %slice3A_151 = vector.extract_strided_slice %dot_general3A_19 {offsets = [0, 1920], sizes = [1024, 128], strides = [1, 1]} : vector<1024x8192xf32> to vector<1024x128xf32>
    %mul3A_152 = arith.constant 64 : i32
    %mul3A_153 = arith.muli %scan3A, %mul3A_152 : i32
    %add3A_154 = arith.constant 15 : i32
    %add3A_155 = arith.addi %mul3A_153, %add3A_154 : i32
    %gt3A_156 = arith.cmpf ogt, %slice3A_151, %select_n3A_148 : vector<1024x128xf32>
    %select_n3A_157 = arith.select %gt3A_156, %slice3A_151, %select_n3A_148 : vector<1024x128xi1>, vector<1024x128xf32>
    %broadcast_in_dim3A_158 = vector.broadcast %add3A_155 : i32 to vector<1024x128xi32>
    %select_n3A_159 = arith.select %gt3A_156, %broadcast_in_dim3A_158, %select_n3A_150 : vector<1024x128xi1>, vector<1024x128xi32>
    %slice3A_160 = vector.extract_strided_slice %dot_general3A_19 {offsets = [0, 2048], sizes = [1024, 128], strides = [1, 1]} : vector<1024x8192xf32> to vector<1024x128xf32>
    %mul3A_161 = arith.constant 64 : i32
    %mul3A_162 = arith.muli %scan3A, %mul3A_161 : i32
    %add3A_163 = arith.constant 16 : i32
    %add3A_164 = arith.addi %mul3A_162, %add3A_163 : i32
    %gt3A_165 = arith.cmpf ogt, %slice3A_160, %select_n3A_157 : vector<1024x128xf32>
    %select_n3A_166 = arith.select %gt3A_165, %slice3A_160, %select_n3A_157 : vector<1024x128xi1>, vector<1024x128xf32>
    %broadcast_in_dim3A_167 = vector.broadcast %add3A_164 : i32 to vector<1024x128xi32>
    %select_n3A_168 = arith.select %gt3A_165, %broadcast_in_dim3A_167, %select_n3A_159 : vector<1024x128xi1>, vector<1024x128xi32>
    %slice3A_169 = vector.extract_strided_slice %dot_general3A_19 {offsets = [0, 2176], sizes = [1024, 128], strides = [1, 1]} : vector<1024x8192xf32> to vector<1024x128xf32>
    %mul3A_170 = arith.constant 64 : i32
    %mul3A_171 = arith.muli %scan3A, %mul3A_170 : i32
    %add3A_172 = arith.constant 17 : i32
    %add3A_173 = arith.addi %mul3A_171, %add3A_172 : i32
    %gt3A_174 = arith.cmpf ogt, %slice3A_169, %select_n3A_166 : vector<1024x128xf32>
    %select_n3A_175 = arith.select %gt3A_174, %slice3A_169, %select_n3A_166 : vector<1024x128xi1>, vector<1024x128xf32>
    %broadcast_in_dim3A_176 = vector.broadcast %add3A_173 : i32 to vector<1024x128xi32>
    %select_n3A_177 = arith.select %gt3A_174, %broadcast_in_dim3A_176, %select_n3A_168 : vector<1024x128xi1>, vector<1024x128xi32>
    %slice3A_178 = vector.extract_strided_slice %dot_general3A_19 {offsets = [0, 2304], sizes = [1024, 128], strides = [1, 1]} : vector<1024x8192xf32> to vector<1024x128xf32>
    %mul3A_179 = arith.constant 64 : i32
    %mul3A_180 = arith.muli %scan3A, %mul3A_179 : i32
    %add3A_181 = arith.constant 18 : i32
    %add3A_182 = arith.addi %mul3A_180, %add3A_181 : i32
    %gt3A_183 = arith.cmpf ogt, %slice3A_178, %select_n3A_175 : vector<1024x128xf32>
    %select_n3A_184 = arith.select %gt3A_183, %slice3A_178, %select_n3A_175 : vector<1024x128xi1>, vector<1024x128xf32>
    %broadcast_in_dim3A_185 = vector.broadcast %add3A_182 : i32 to vector<1024x128xi32>
    %select_n3A_186 = arith.select %gt3A_183, %broadcast_in_dim3A_185, %select_n3A_177 : vector<1024x128xi1>, vector<1024x128xi32>
    %slice3A_187 = vector.extract_strided_slice %dot_general3A_19 {offsets = [0, 2432], sizes = [1024, 128], strides = [1, 1]} : vector<1024x8192xf32> to vector<1024x128xf32>
    %mul3A_188 = arith.constant 64 : i32
    %mul3A_189 = arith.muli %scan3A, %mul3A_188 : i32
    %add3A_190 = arith.constant 19 : i32
    %add3A_191 = arith.addi %mul3A_189, %add3A_190 : i32
    %gt3A_192 = arith.cmpf ogt, %slice3A_187, %select_n3A_184 : vector<1024x128xf32>
    %select_n3A_193 = arith.select %gt3A_192, %slice3A_187, %select_n3A_184 : vector<1024x128xi1>, vector<1024x128xf32>
    %broadcast_in_dim3A_194 = vector.broadcast %add3A_191 : i32 to vector<1024x128xi32>
    %select_n3A_195 = arith.select %gt3A_192, %broadcast_in_dim3A_194, %select_n3A_186 : vector<1024x128xi1>, vector<1024x128xi32>
    %slice3A_196 = vector.extract_strided_slice %dot_general3A_19 {offsets = [0, 2560], sizes = [1024, 128], strides = [1, 1]} : vector<1024x8192xf32> to vector<1024x128xf32>
    %mul3A_197 = arith.constant 64 : i32
    %mul3A_198 = arith.muli %scan3A, %mul3A_197 : i32
    %add3A_199 = arith.constant 20 : i32
    %add3A_200 = arith.addi %mul3A_198, %add3A_199 : i32
    %gt3A_201 = arith.cmpf ogt, %slice3A_196, %select_n3A_193 : vector<1024x128xf32>
    %select_n3A_202 = arith.select %gt3A_201, %slice3A_196, %select_n3A_193 : vector<1024x128xi1>, vector<1024x128xf32>
    %broadcast_in_dim3A_203 = vector.broadcast %add3A_200 : i32 to vector<1024x128xi32>
    %select_n3A_204 = arith.select %gt3A_201, %broadcast_in_dim3A_203, %select_n3A_195 : vector<1024x128xi1>, vector<1024x128xi32>
    %slice3A_205 = vector.extract_strided_slice %dot_general3A_19 {offsets = [0, 2688], sizes = [1024, 128], strides = [1, 1]} : vector<1024x8192xf32> to vector<1024x128xf32>
    %mul3A_206 = arith.constant 64 : i32
    %mul3A_207 = arith.muli %scan3A, %mul3A_206 : i32
    %add3A_208 = arith.constant 21 : i32
    %add3A_209 = arith.addi %mul3A_207, %add3A_208 : i32
    %gt3A_210 = arith.cmpf ogt, %slice3A_205, %select_n3A_202 : vector<1024x128xf32>
    %select_n3A_211 = arith.select %gt3A_210, %slice3A_205, %select_n3A_202 : vector<1024x128xi1>, vector<1024x128xf32>
    %broadcast_in_dim3A_212 = vector.broadcast %add3A_209 : i32 to vector<1024x128xi32>
    %select_n3A_213 = arith.select %gt3A_210, %broadcast_in_dim3A_212, %select_n3A_204 : vector<1024x128xi1>, vector<1024x128xi32>
    %slice3A_214 = vector.extract_strided_slice %dot_general3A_19 {offsets = [0, 2816], sizes = [1024, 128], strides = [1, 1]} : vector<1024x8192xf32> to vector<1024x128xf32>
    %mul3A_215 = arith.constant 64 : i32
    %mul3A_216 = arith.muli %scan3A, %mul3A_215 : i32
    %add3A_217 = arith.constant 22 : i32
    %add3A_218 = arith.addi %mul3A_216, %add3A_217 : i32
    %gt3A_219 = arith.cmpf ogt, %slice3A_214, %select_n3A_211 : vector<1024x128xf32>
    %select_n3A_220 = arith.select %gt3A_219, %slice3A_214, %select_n3A_211 : vector<1024x128xi1>, vector<1024x128xf32>
    %broadcast_in_dim3A_221 = vector.broadcast %add3A_218 : i32 to vector<1024x128xi32>
    %select_n3A_222 = arith.select %gt3A_219, %broadcast_in_dim3A_221, %select_n3A_213 : vector<1024x128xi1>, vector<1024x128xi32>
    %slice3A_223 = vector.extract_strided_slice %dot_general3A_19 {offsets = [0, 2944], sizes = [1024, 128], strides = [1, 1]} : vector<1024x8192xf32> to vector<1024x128xf32>
    %mul3A_224 = arith.constant 64 : i32
    %mul3A_225 = arith.muli %scan3A, %mul3A_224 : i32
    %add3A_226 = arith.constant 23 : i32
    %add3A_227 = arith.addi %mul3A_225, %add3A_226 : i32
    %gt3A_228 = arith.cmpf ogt, %slice3A_223, %select_n3A_220 : vector<1024x128xf32>
    %select_n3A_229 = arith.select %gt3A_228, %slice3A_223, %select_n3A_220 : vector<1024x128xi1>, vector<1024x128xf32>
    %broadcast_in_dim3A_230 = vector.broadcast %add3A_227 : i32 to vector<1024x128xi32>
    %select_n3A_231 = arith.select %gt3A_228, %broadcast_in_dim3A_230, %select_n3A_222 : vector<1024x128xi1>, vector<1024x128xi32>
    %slice3A_232 = vector.extract_strided_slice %dot_general3A_19 {offsets = [0, 3072], sizes = [1024, 128], strides = [1, 1]} : vector<1024x8192xf32> to vector<1024x128xf32>
    %mul3A_233 = arith.constant 64 : i32
    %mul3A_234 = arith.muli %scan3A, %mul3A_233 : i32
    %add3A_235 = arith.constant 24 : i32
    %add3A_236 = arith.addi %mul3A_234, %add3A_235 : i32
    %gt3A_237 = arith.cmpf ogt, %slice3A_232, %select_n3A_229 : vector<1024x128xf32>
    %select_n3A_238 = arith.select %gt3A_237, %slice3A_232, %select_n3A_229 : vector<1024x128xi1>, vector<1024x128xf32>
    %broadcast_in_dim3A_239 = vector.broadcast %add3A_236 : i32 to vector<1024x128xi32>
    %select_n3A_240 = arith.select %gt3A_237, %broadcast_in_dim3A_239, %select_n3A_231 : vector<1024x128xi1>, vector<1024x128xi32>
    %slice3A_241 = vector.extract_strided_slice %dot_general3A_19 {offsets = [0, 3200], sizes = [1024, 128], strides = [1, 1]} : vector<1024x8192xf32> to vector<1024x128xf32>
    %mul3A_242 = arith.constant 64 : i32
    %mul3A_243 = arith.muli %scan3A, %mul3A_242 : i32
    %add3A_244 = arith.constant 25 : i32
    %add3A_245 = arith.addi %mul3A_243, %add3A_244 : i32
    %gt3A_246 = arith.cmpf ogt, %slice3A_241, %select_n3A_238 : vector<1024x128xf32>
    %select_n3A_247 = arith.select %gt3A_246, %slice3A_241, %select_n3A_238 : vector<1024x128xi1>, vector<1024x128xf32>
    %broadcast_in_dim3A_248 = vector.broadcast %add3A_245 : i32 to vector<1024x128xi32>
    %select_n3A_249 = arith.select %gt3A_246, %broadcast_in_dim3A_248, %select_n3A_240 : vector<1024x128xi1>, vector<1024x128xi32>
    %slice3A_250 = vector.extract_strided_slice %dot_general3A_19 {offsets = [0, 3328], sizes = [1024, 128], strides = [1, 1]} : vector<1024x8192xf32> to vector<1024x128xf32>
    %mul3A_251 = arith.constant 64 : i32
    %mul3A_252 = arith.muli %scan3A, %mul3A_251 : i32
    %add3A_253 = arith.constant 26 : i32
    %add3A_254 = arith.addi %mul3A_252, %add3A_253 : i32
    %gt3A_255 = arith.cmpf ogt, %slice3A_250, %select_n3A_247 : vector<1024x128xf32>
    %select_n3A_256 = arith.select %gt3A_255, %slice3A_250, %select_n3A_247 : vector<1024x128xi1>, vector<1024x128xf32>
    %broadcast_in_dim3A_257 = vector.broadcast %add3A_254 : i32 to vector<1024x128xi32>
    %select_n3A_258 = arith.select %gt3A_255, %broadcast_in_dim3A_257, %select_n3A_249 : vector<1024x128xi1>, vector<1024x128xi32>
    %slice3A_259 = vector.extract_strided_slice %dot_general3A_19 {offsets = [0, 3456], sizes = [1024, 128], strides = [1, 1]} : vector<1024x8192xf32> to vector<1024x128xf32>
    %mul3A_260 = arith.constant 64 : i32
    %mul3A_261 = arith.muli %scan3A, %mul3A_260 : i32
    %add3A_262 = arith.constant 27 : i32
    %add3A_263 = arith.addi %mul3A_261, %add3A_262 : i32
    %gt3A_264 = arith.cmpf ogt, %slice3A_259, %select_n3A_256 : vector<1024x128xf32>
    %select_n3A_265 = arith.select %gt3A_264, %slice3A_259, %select_n3A_256 : vector<1024x128xi1>, vector<1024x128xf32>
    %broadcast_in_dim3A_266 = vector.broadcast %add3A_263 : i32 to vector<1024x128xi32>
    %select_n3A_267 = arith.select %gt3A_264, %broadcast_in_dim3A_266, %select_n3A_258 : vector<1024x128xi1>, vector<1024x128xi32>
    %slice3A_268 = vector.extract_strided_slice %dot_general3A_19 {offsets = [0, 3584], sizes = [1024, 128], strides = [1, 1]} : vector<1024x8192xf32> to vector<1024x128xf32>
    %mul3A_269 = arith.constant 64 : i32
    %mul3A_270 = arith.muli %scan3A, %mul3A_269 : i32
    %add3A_271 = arith.constant 28 : i32
    %add3A_272 = arith.addi %mul3A_270, %add3A_271 : i32
    %gt3A_273 = arith.cmpf ogt, %slice3A_268, %select_n3A_265 : vector<1024x128xf32>
    %select_n3A_274 = arith.select %gt3A_273, %slice3A_268, %select_n3A_265 : vector<1024x128xi1>, vector<1024x128xf32>
    %broadcast_in_dim3A_275 = vector.broadcast %add3A_272 : i32 to vector<1024x128xi32>
    %select_n3A_276 = arith.select %gt3A_273, %broadcast_in_dim3A_275, %select_n3A_267 : vector<1024x128xi1>, vector<1024x128xi32>
    %slice3A_277 = vector.extract_strided_slice %dot_general3A_19 {offsets = [0, 3712], sizes = [1024, 128], strides = [1, 1]} : vector<1024x8192xf32> to vector<1024x128xf32>
    %mul3A_278 = arith.constant 64 : i32
    %mul3A_279 = arith.muli %scan3A, %mul3A_278 : i32
    %add3A_280 = arith.constant 29 : i32
    %add3A_281 = arith.addi %mul3A_279, %add3A_280 : i32
    %gt3A_282 = arith.cmpf ogt, %slice3A_277, %select_n3A_274 : vector<1024x128xf32>
    %select_n3A_283 = arith.select %gt3A_282, %slice3A_277, %select_n3A_274 : vector<1024x128xi1>, vector<1024x128xf32>
    %broadcast_in_dim3A_284 = vector.broadcast %add3A_281 : i32 to vector<1024x128xi32>
    %select_n3A_285 = arith.select %gt3A_282, %broadcast_in_dim3A_284, %select_n3A_276 : vector<1024x128xi1>, vector<1024x128xi32>
    %slice3A_286 = vector.extract_strided_slice %dot_general3A_19 {offsets = [0, 3840], sizes = [1024, 128], strides = [1, 1]} : vector<1024x8192xf32> to vector<1024x128xf32>
    %mul3A_287 = arith.constant 64 : i32
    %mul3A_288 = arith.muli %scan3A, %mul3A_287 : i32
    %add3A_289 = arith.constant 30 : i32
    %add3A_290 = arith.addi %mul3A_288, %add3A_289 : i32
    %gt3A_291 = arith.cmpf ogt, %slice3A_286, %select_n3A_283 : vector<1024x128xf32>
    %select_n3A_292 = arith.select %gt3A_291, %slice3A_286, %select_n3A_283 : vector<1024x128xi1>, vector<1024x128xf32>
    %broadcast_in_dim3A_293 = vector.broadcast %add3A_290 : i32 to vector<1024x128xi32>
    %select_n3A_294 = arith.select %gt3A_291, %broadcast_in_dim3A_293, %select_n3A_285 : vector<1024x128xi1>, vector<1024x128xi32>
    %slice3A_295 = vector.extract_strided_slice %dot_general3A_19 {offsets = [0, 3968], sizes = [1024, 128], strides = [1, 1]} : vector<1024x8192xf32> to vector<1024x128xf32>
    %mul3A_296 = arith.constant 64 : i32
    %mul3A_297 = arith.muli %scan3A, %mul3A_296 : i32
    %add3A_298 = arith.constant 31 : i32
    %add3A_299 = arith.addi %mul3A_297, %add3A_298 : i32
    %gt3A_300 = arith.cmpf ogt, %slice3A_295, %select_n3A_292 : vector<1024x128xf32>
    %select_n3A_301 = arith.select %gt3A_300, %slice3A_295, %select_n3A_292 : vector<1024x128xi1>, vector<1024x128xf32>
    %broadcast_in_dim3A_302 = vector.broadcast %add3A_299 : i32 to vector<1024x128xi32>
    %select_n3A_303 = arith.select %gt3A_300, %broadcast_in_dim3A_302, %select_n3A_294 : vector<1024x128xi1>, vector<1024x128xi32>
    %slice3A_304 = vector.extract_strided_slice %dot_general3A_19 {offsets = [0, 4096], sizes = [1024, 128], strides = [1, 1]} : vector<1024x8192xf32> to vector<1024x128xf32>
    %mul3A_305 = arith.constant 64 : i32
    %mul3A_306 = arith.muli %scan3A, %mul3A_305 : i32
    %add3A_307 = arith.constant 32 : i32
    %add3A_308 = arith.addi %mul3A_306, %add3A_307 : i32
    %gt3A_309 = arith.cmpf ogt, %slice3A_304, %select_n3A_301 : vector<1024x128xf32>
    %select_n3A_310 = arith.select %gt3A_309, %slice3A_304, %select_n3A_301 : vector<1024x128xi1>, vector<1024x128xf32>
    %broadcast_in_dim3A_311 = vector.broadcast %add3A_308 : i32 to vector<1024x128xi32>
    %select_n3A_312 = arith.select %gt3A_309, %broadcast_in_dim3A_311, %select_n3A_303 : vector<1024x128xi1>, vector<1024x128xi32>
    %slice3A_313 = vector.extract_strided_slice %dot_general3A_19 {offsets = [0, 4224], sizes = [1024, 128], strides = [1, 1]} : vector<1024x8192xf32> to vector<1024x128xf32>
    %mul3A_314 = arith.constant 64 : i32
    %mul3A_315 = arith.muli %scan3A, %mul3A_314 : i32
    %add3A_316 = arith.constant 33 : i32
    %add3A_317 = arith.addi %mul3A_315, %add3A_316 : i32
    %gt3A_318 = arith.cmpf ogt, %slice3A_313, %select_n3A_310 : vector<1024x128xf32>
    %select_n3A_319 = arith.select %gt3A_318, %slice3A_313, %select_n3A_310 : vector<1024x128xi1>, vector<1024x128xf32>
    %broadcast_in_dim3A_320 = vector.broadcast %add3A_317 : i32 to vector<1024x128xi32>
    %select_n3A_321 = arith.select %gt3A_318, %broadcast_in_dim3A_320, %select_n3A_312 : vector<1024x128xi1>, vector<1024x128xi32>
    %slice3A_322 = vector.extract_strided_slice %dot_general3A_19 {offsets = [0, 4352], sizes = [1024, 128], strides = [1, 1]} : vector<1024x8192xf32> to vector<1024x128xf32>
    %mul3A_323 = arith.constant 64 : i32
    %mul3A_324 = arith.muli %scan3A, %mul3A_323 : i32
    %add3A_325 = arith.constant 34 : i32
    %add3A_326 = arith.addi %mul3A_324, %add3A_325 : i32
    %gt3A_327 = arith.cmpf ogt, %slice3A_322, %select_n3A_319 : vector<1024x128xf32>
    %select_n3A_328 = arith.select %gt3A_327, %slice3A_322, %select_n3A_319 : vector<1024x128xi1>, vector<1024x128xf32>
    %broadcast_in_dim3A_329 = vector.broadcast %add3A_326 : i32 to vector<1024x128xi32>
    %select_n3A_330 = arith.select %gt3A_327, %broadcast_in_dim3A_329, %select_n3A_321 : vector<1024x128xi1>, vector<1024x128xi32>
    %slice3A_331 = vector.extract_strided_slice %dot_general3A_19 {offsets = [0, 4480], sizes = [1024, 128], strides = [1, 1]} : vector<1024x8192xf32> to vector<1024x128xf32>
    %mul3A_332 = arith.constant 64 : i32
    %mul3A_333 = arith.muli %scan3A, %mul3A_332 : i32
    %add3A_334 = arith.constant 35 : i32
    %add3A_335 = arith.addi %mul3A_333, %add3A_334 : i32
    %gt3A_336 = arith.cmpf ogt, %slice3A_331, %select_n3A_328 : vector<1024x128xf32>
    %select_n3A_337 = arith.select %gt3A_336, %slice3A_331, %select_n3A_328 : vector<1024x128xi1>, vector<1024x128xf32>
    %broadcast_in_dim3A_338 = vector.broadcast %add3A_335 : i32 to vector<1024x128xi32>
    %select_n3A_339 = arith.select %gt3A_336, %broadcast_in_dim3A_338, %select_n3A_330 : vector<1024x128xi1>, vector<1024x128xi32>
    %slice3A_340 = vector.extract_strided_slice %dot_general3A_19 {offsets = [0, 4608], sizes = [1024, 128], strides = [1, 1]} : vector<1024x8192xf32> to vector<1024x128xf32>
    %mul3A_341 = arith.constant 64 : i32
    %mul3A_342 = arith.muli %scan3A, %mul3A_341 : i32
    %add3A_343 = arith.constant 36 : i32
    %add3A_344 = arith.addi %mul3A_342, %add3A_343 : i32
    %gt3A_345 = arith.cmpf ogt, %slice3A_340, %select_n3A_337 : vector<1024x128xf32>
    %select_n3A_346 = arith.select %gt3A_345, %slice3A_340, %select_n3A_337 : vector<1024x128xi1>, vector<1024x128xf32>
    %broadcast_in_dim3A_347 = vector.broadcast %add3A_344 : i32 to vector<1024x128xi32>
    %select_n3A_348 = arith.select %gt3A_345, %broadcast_in_dim3A_347, %select_n3A_339 : vector<1024x128xi1>, vector<1024x128xi32>
    %slice3A_349 = vector.extract_strided_slice %dot_general3A_19 {offsets = [0, 4736], sizes = [1024, 128], strides = [1, 1]} : vector<1024x8192xf32> to vector<1024x128xf32>
    %mul3A_350 = arith.constant 64 : i32
    %mul3A_351 = arith.muli %scan3A, %mul3A_350 : i32
    %add3A_352 = arith.constant 37 : i32
    %add3A_353 = arith.addi %mul3A_351, %add3A_352 : i32
    %gt3A_354 = arith.cmpf ogt, %slice3A_349, %select_n3A_346 : vector<1024x128xf32>
    %select_n3A_355 = arith.select %gt3A_354, %slice3A_349, %select_n3A_346 : vector<1024x128xi1>, vector<1024x128xf32>
    %broadcast_in_dim3A_356 = vector.broadcast %add3A_353 : i32 to vector<1024x128xi32>
    %select_n3A_357 = arith.select %gt3A_354, %broadcast_in_dim3A_356, %select_n3A_348 : vector<1024x128xi1>, vector<1024x128xi32>
    %slice3A_358 = vector.extract_strided_slice %dot_general3A_19 {offsets = [0, 4864], sizes = [1024, 128], strides = [1, 1]} : vector<1024x8192xf32> to vector<1024x128xf32>
    %mul3A_359 = arith.constant 64 : i32
    %mul3A_360 = arith.muli %scan3A, %mul3A_359 : i32
    %add3A_361 = arith.constant 38 : i32
    %add3A_362 = arith.addi %mul3A_360, %add3A_361 : i32
    %gt3A_363 = arith.cmpf ogt, %slice3A_358, %select_n3A_355 : vector<1024x128xf32>
    %select_n3A_364 = arith.select %gt3A_363, %slice3A_358, %select_n3A_355 : vector<1024x128xi1>, vector<1024x128xf32>
    %broadcast_in_dim3A_365 = vector.broadcast %add3A_362 : i32 to vector<1024x128xi32>
    %select_n3A_366 = arith.select %gt3A_363, %broadcast_in_dim3A_365, %select_n3A_357 : vector<1024x128xi1>, vector<1024x128xi32>
    %slice3A_367 = vector.extract_strided_slice %dot_general3A_19 {offsets = [0, 4992], sizes = [1024, 128], strides = [1, 1]} : vector<1024x8192xf32> to vector<1024x128xf32>
    %mul3A_368 = arith.constant 64 : i32
    %mul3A_369 = arith.muli %scan3A, %mul3A_368 : i32
    %add3A_370 = arith.constant 39 : i32
    %add3A_371 = arith.addi %mul3A_369, %add3A_370 : i32
    %gt3A_372 = arith.cmpf ogt, %slice3A_367, %select_n3A_364 : vector<1024x128xf32>
    %select_n3A_373 = arith.select %gt3A_372, %slice3A_367, %select_n3A_364 : vector<1024x128xi1>, vector<1024x128xf32>
    %broadcast_in_dim3A_374 = vector.broadcast %add3A_371 : i32 to vector<1024x128xi32>
    %select_n3A_375 = arith.select %gt3A_372, %broadcast_in_dim3A_374, %select_n3A_366 : vector<1024x128xi1>, vector<1024x128xi32>
    %slice3A_376 = vector.extract_strided_slice %dot_general3A_19 {offsets = [0, 5120], sizes = [1024, 128], strides = [1, 1]} : vector<1024x8192xf32> to vector<1024x128xf32>
    %mul3A_377 = arith.constant 64 : i32
    %mul3A_378 = arith.muli %scan3A, %mul3A_377 : i32
    %add3A_379 = arith.constant 40 : i32
    %add3A_380 = arith.addi %mul3A_378, %add3A_379 : i32
    %gt3A_381 = arith.cmpf ogt, %slice3A_376, %select_n3A_373 : vector<1024x128xf32>
    %select_n3A_382 = arith.select %gt3A_381, %slice3A_376, %select_n3A_373 : vector<1024x128xi1>, vector<1024x128xf32>
    %broadcast_in_dim3A_383 = vector.broadcast %add3A_380 : i32 to vector<1024x128xi32>
    %select_n3A_384 = arith.select %gt3A_381, %broadcast_in_dim3A_383, %select_n3A_375 : vector<1024x128xi1>, vector<1024x128xi32>
    %slice3A_385 = vector.extract_strided_slice %dot_general3A_19 {offsets = [0, 5248], sizes = [1024, 128], strides = [1, 1]} : vector<1024x8192xf32> to vector<1024x128xf32>
    %mul3A_386 = arith.constant 64 : i32
    %mul3A_387 = arith.muli %scan3A, %mul3A_386 : i32
    %add3A_388 = arith.constant 41 : i32
    %add3A_389 = arith.addi %mul3A_387, %add3A_388 : i32
    %gt3A_390 = arith.cmpf ogt, %slice3A_385, %select_n3A_382 : vector<1024x128xf32>
    %select_n3A_391 = arith.select %gt3A_390, %slice3A_385, %select_n3A_382 : vector<1024x128xi1>, vector<1024x128xf32>
    %broadcast_in_dim3A_392 = vector.broadcast %add3A_389 : i32 to vector<1024x128xi32>
    %select_n3A_393 = arith.select %gt3A_390, %broadcast_in_dim3A_392, %select_n3A_384 : vector<1024x128xi1>, vector<1024x128xi32>
    %slice3A_394 = vector.extract_strided_slice %dot_general3A_19 {offsets = [0, 5376], sizes = [1024, 128], strides = [1, 1]} : vector<1024x8192xf32> to vector<1024x128xf32>
    %mul3A_395 = arith.constant 64 : i32
    %mul3A_396 = arith.muli %scan3A, %mul3A_395 : i32
    %add3A_397 = arith.constant 42 : i32
    %add3A_398 = arith.addi %mul3A_396, %add3A_397 : i32
    %gt3A_399 = arith.cmpf ogt, %slice3A_394, %select_n3A_391 : vector<1024x128xf32>
    %select_n3A_400 = arith.select %gt3A_399, %slice3A_394, %select_n3A_391 : vector<1024x128xi1>, vector<1024x128xf32>
    %broadcast_in_dim3A_401 = vector.broadcast %add3A_398 : i32 to vector<1024x128xi32>
    %select_n3A_402 = arith.select %gt3A_399, %broadcast_in_dim3A_401, %select_n3A_393 : vector<1024x128xi1>, vector<1024x128xi32>
    %slice3A_403 = vector.extract_strided_slice %dot_general3A_19 {offsets = [0, 5504], sizes = [1024, 128], strides = [1, 1]} : vector<1024x8192xf32> to vector<1024x128xf32>
    %mul3A_404 = arith.constant 64 : i32
    %mul3A_405 = arith.muli %scan3A, %mul3A_404 : i32
    %add3A_406 = arith.constant 43 : i32
    %add3A_407 = arith.addi %mul3A_405, %add3A_406 : i32
    %gt3A_408 = arith.cmpf ogt, %slice3A_403, %select_n3A_400 : vector<1024x128xf32>
    %select_n3A_409 = arith.select %gt3A_408, %slice3A_403, %select_n3A_400 : vector<1024x128xi1>, vector<1024x128xf32>
    %broadcast_in_dim3A_410 = vector.broadcast %add3A_407 : i32 to vector<1024x128xi32>
    %select_n3A_411 = arith.select %gt3A_408, %broadcast_in_dim3A_410, %select_n3A_402 : vector<1024x128xi1>, vector<1024x128xi32>
    %slice3A_412 = vector.extract_strided_slice %dot_general3A_19 {offsets = [0, 5632], sizes = [1024, 128], strides = [1, 1]} : vector<1024x8192xf32> to vector<1024x128xf32>
    %mul3A_413 = arith.constant 64 : i32
    %mul3A_414 = arith.muli %scan3A, %mul3A_413 : i32
    %add3A_415 = arith.constant 44 : i32
    %add3A_416 = arith.addi %mul3A_414, %add3A_415 : i32
    %gt3A_417 = arith.cmpf ogt, %slice3A_412, %select_n3A_409 : vector<1024x128xf32>
    %select_n3A_418 = arith.select %gt3A_417, %slice3A_412, %select_n3A_409 : vector<1024x128xi1>, vector<1024x128xf32>
    %broadcast_in_dim3A_419 = vector.broadcast %add3A_416 : i32 to vector<1024x128xi32>
    %select_n3A_420 = arith.select %gt3A_417, %broadcast_in_dim3A_419, %select_n3A_411 : vector<1024x128xi1>, vector<1024x128xi32>
    %slice3A_421 = vector.extract_strided_slice %dot_general3A_19 {offsets = [0, 5760], sizes = [1024, 128], strides = [1, 1]} : vector<1024x8192xf32> to vector<1024x128xf32>
    %mul3A_422 = arith.constant 64 : i32
    %mul3A_423 = arith.muli %scan3A, %mul3A_422 : i32
    %add3A_424 = arith.constant 45 : i32
    %add3A_425 = arith.addi %mul3A_423, %add3A_424 : i32
    %gt3A_426 = arith.cmpf ogt, %slice3A_421, %select_n3A_418 : vector<1024x128xf32>
    %select_n3A_427 = arith.select %gt3A_426, %slice3A_421, %select_n3A_418 : vector<1024x128xi1>, vector<1024x128xf32>
    %broadcast_in_dim3A_428 = vector.broadcast %add3A_425 : i32 to vector<1024x128xi32>
    %select_n3A_429 = arith.select %gt3A_426, %broadcast_in_dim3A_428, %select_n3A_420 : vector<1024x128xi1>, vector<1024x128xi32>
    %slice3A_430 = vector.extract_strided_slice %dot_general3A_19 {offsets = [0, 5888], sizes = [1024, 128], strides = [1, 1]} : vector<1024x8192xf32> to vector<1024x128xf32>
    %mul3A_431 = arith.constant 64 : i32
    %mul3A_432 = arith.muli %scan3A, %mul3A_431 : i32
    %add3A_433 = arith.constant 46 : i32
    %add3A_434 = arith.addi %mul3A_432, %add3A_433 : i32
    %gt3A_435 = arith.cmpf ogt, %slice3A_430, %select_n3A_427 : vector<1024x128xf32>
    %select_n3A_436 = arith.select %gt3A_435, %slice3A_430, %select_n3A_427 : vector<1024x128xi1>, vector<1024x128xf32>
    %broadcast_in_dim3A_437 = vector.broadcast %add3A_434 : i32 to vector<1024x128xi32>
    %select_n3A_438 = arith.select %gt3A_435, %broadcast_in_dim3A_437, %select_n3A_429 : vector<1024x128xi1>, vector<1024x128xi32>
    %slice3A_439 = vector.extract_strided_slice %dot_general3A_19 {offsets = [0, 6016], sizes = [1024, 128], strides = [1, 1]} : vector<1024x8192xf32> to vector<1024x128xf32>
    %mul3A_440 = arith.constant 64 : i32
    %mul3A_441 = arith.muli %scan3A, %mul3A_440 : i32
    %add3A_442 = arith.constant 47 : i32
    %add3A_443 = arith.addi %mul3A_441, %add3A_442 : i32
    %gt3A_444 = arith.cmpf ogt, %slice3A_439, %select_n3A_436 : vector<1024x128xf32>
    %select_n3A_445 = arith.select %gt3A_444, %slice3A_439, %select_n3A_436 : vector<1024x128xi1>, vector<1024x128xf32>
    %broadcast_in_dim3A_446 = vector.broadcast %add3A_443 : i32 to vector<1024x128xi32>
    %select_n3A_447 = arith.select %gt3A_444, %broadcast_in_dim3A_446, %select_n3A_438 : vector<1024x128xi1>, vector<1024x128xi32>
    %slice3A_448 = vector.extract_strided_slice %dot_general3A_19 {offsets = [0, 6144], sizes = [1024, 128], strides = [1, 1]} : vector<1024x8192xf32> to vector<1024x128xf32>
    %mul3A_449 = arith.constant 64 : i32
    %mul3A_450 = arith.muli %scan3A, %mul3A_449 : i32
    %add3A_451 = arith.constant 48 : i32
    %add3A_452 = arith.addi %mul3A_450, %add3A_451 : i32
    %gt3A_453 = arith.cmpf ogt, %slice3A_448, %select_n3A_445 : vector<1024x128xf32>
    %select_n3A_454 = arith.select %gt3A_453, %slice3A_448, %select_n3A_445 : vector<1024x128xi1>, vector<1024x128xf32>
    %broadcast_in_dim3A_455 = vector.broadcast %add3A_452 : i32 to vector<1024x128xi32>
    %select_n3A_456 = arith.select %gt3A_453, %broadcast_in_dim3A_455, %select_n3A_447 : vector<1024x128xi1>, vector<1024x128xi32>
    %slice3A_457 = vector.extract_strided_slice %dot_general3A_19 {offsets = [0, 6272], sizes = [1024, 128], strides = [1, 1]} : vector<1024x8192xf32> to vector<1024x128xf32>
    %mul3A_458 = arith.constant 64 : i32
    %mul3A_459 = arith.muli %scan3A, %mul3A_458 : i32
    %add3A_460 = arith.constant 49 : i32
    %add3A_461 = arith.addi %mul3A_459, %add3A_460 : i32
    %gt3A_462 = arith.cmpf ogt, %slice3A_457, %select_n3A_454 : vector<1024x128xf32>
    %select_n3A_463 = arith.select %gt3A_462, %slice3A_457, %select_n3A_454 : vector<1024x128xi1>, vector<1024x128xf32>
    %broadcast_in_dim3A_464 = vector.broadcast %add3A_461 : i32 to vector<1024x128xi32>
    %select_n3A_465 = arith.select %gt3A_462, %broadcast_in_dim3A_464, %select_n3A_456 : vector<1024x128xi1>, vector<1024x128xi32>
    %slice3A_466 = vector.extract_strided_slice %dot_general3A_19 {offsets = [0, 6400], sizes = [1024, 128], strides = [1, 1]} : vector<1024x8192xf32> to vector<1024x128xf32>
    %mul3A_467 = arith.constant 64 : i32
    %mul3A_468 = arith.muli %scan3A, %mul3A_467 : i32
    %add3A_469 = arith.constant 50 : i32
    %add3A_470 = arith.addi %mul3A_468, %add3A_469 : i32
    %gt3A_471 = arith.cmpf ogt, %slice3A_466, %select_n3A_463 : vector<1024x128xf32>
    %select_n3A_472 = arith.select %gt3A_471, %slice3A_466, %select_n3A_463 : vector<1024x128xi1>, vector<1024x128xf32>
    %broadcast_in_dim3A_473 = vector.broadcast %add3A_470 : i32 to vector<1024x128xi32>
    %select_n3A_474 = arith.select %gt3A_471, %broadcast_in_dim3A_473, %select_n3A_465 : vector<1024x128xi1>, vector<1024x128xi32>
    %slice3A_475 = vector.extract_strided_slice %dot_general3A_19 {offsets = [0, 6528], sizes = [1024, 128], strides = [1, 1]} : vector<1024x8192xf32> to vector<1024x128xf32>
    %mul3A_476 = arith.constant 64 : i32
    %mul3A_477 = arith.muli %scan3A, %mul3A_476 : i32
    %add3A_478 = arith.constant 51 : i32
    %add3A_479 = arith.addi %mul3A_477, %add3A_478 : i32
    %gt3A_480 = arith.cmpf ogt, %slice3A_475, %select_n3A_472 : vector<1024x128xf32>
    %select_n3A_481 = arith.select %gt3A_480, %slice3A_475, %select_n3A_472 : vector<1024x128xi1>, vector<1024x128xf32>
    %broadcast_in_dim3A_482 = vector.broadcast %add3A_479 : i32 to vector<1024x128xi32>
    %select_n3A_483 = arith.select %gt3A_480, %broadcast_in_dim3A_482, %select_n3A_474 : vector<1024x128xi1>, vector<1024x128xi32>
    %slice3A_484 = vector.extract_strided_slice %dot_general3A_19 {offsets = [0, 6656], sizes = [1024, 128], strides = [1, 1]} : vector<1024x8192xf32> to vector<1024x128xf32>
    %mul3A_485 = arith.constant 64 : i32
    %mul3A_486 = arith.muli %scan3A, %mul3A_485 : i32
    %add3A_487 = arith.constant 52 : i32
    %add3A_488 = arith.addi %mul3A_486, %add3A_487 : i32
    %gt3A_489 = arith.cmpf ogt, %slice3A_484, %select_n3A_481 : vector<1024x128xf32>
    %select_n3A_490 = arith.select %gt3A_489, %slice3A_484, %select_n3A_481 : vector<1024x128xi1>, vector<1024x128xf32>
    %broadcast_in_dim3A_491 = vector.broadcast %add3A_488 : i32 to vector<1024x128xi32>
    %select_n3A_492 = arith.select %gt3A_489, %broadcast_in_dim3A_491, %select_n3A_483 : vector<1024x128xi1>, vector<1024x128xi32>
    %slice3A_493 = vector.extract_strided_slice %dot_general3A_19 {offsets = [0, 6784], sizes = [1024, 128], strides = [1, 1]} : vector<1024x8192xf32> to vector<1024x128xf32>
    %mul3A_494 = arith.constant 64 : i32
    %mul3A_495 = arith.muli %scan3A, %mul3A_494 : i32
    %add3A_496 = arith.constant 53 : i32
    %add3A_497 = arith.addi %mul3A_495, %add3A_496 : i32
    %gt3A_498 = arith.cmpf ogt, %slice3A_493, %select_n3A_490 : vector<1024x128xf32>
    %select_n3A_499 = arith.select %gt3A_498, %slice3A_493, %select_n3A_490 : vector<1024x128xi1>, vector<1024x128xf32>
    %broadcast_in_dim3A_500 = vector.broadcast %add3A_497 : i32 to vector<1024x128xi32>
    %select_n3A_501 = arith.select %gt3A_498, %broadcast_in_dim3A_500, %select_n3A_492 : vector<1024x128xi1>, vector<1024x128xi32>
    %slice3A_502 = vector.extract_strided_slice %dot_general3A_19 {offsets = [0, 6912], sizes = [1024, 128], strides = [1, 1]} : vector<1024x8192xf32> to vector<1024x128xf32>
    %mul3A_503 = arith.constant 64 : i32
    %mul3A_504 = arith.muli %scan3A, %mul3A_503 : i32
    %add3A_505 = arith.constant 54 : i32
    %add3A_506 = arith.addi %mul3A_504, %add3A_505 : i32
    %gt3A_507 = arith.cmpf ogt, %slice3A_502, %select_n3A_499 : vector<1024x128xf32>
    %select_n3A_508 = arith.select %gt3A_507, %slice3A_502, %select_n3A_499 : vector<1024x128xi1>, vector<1024x128xf32>
    %broadcast_in_dim3A_509 = vector.broadcast %add3A_506 : i32 to vector<1024x128xi32>
    %select_n3A_510 = arith.select %gt3A_507, %broadcast_in_dim3A_509, %select_n3A_501 : vector<1024x128xi1>, vector<1024x128xi32>
    %slice3A_511 = vector.extract_strided_slice %dot_general3A_19 {offsets = [0, 7040], sizes = [1024, 128], strides = [1, 1]} : vector<1024x8192xf32> to vector<1024x128xf32>
    %mul3A_512 = arith.constant 64 : i32
    %mul3A_513 = arith.muli %scan3A, %mul3A_512 : i32
    %add3A_514 = arith.constant 55 : i32
    %add3A_515 = arith.addi %mul3A_513, %add3A_514 : i32
    %gt3A_516 = arith.cmpf ogt, %slice3A_511, %select_n3A_508 : vector<1024x128xf32>
    %select_n3A_517 = arith.select %gt3A_516, %slice3A_511, %select_n3A_508 : vector<1024x128xi1>, vector<1024x128xf32>
    %broadcast_in_dim3A_518 = vector.broadcast %add3A_515 : i32 to vector<1024x128xi32>
    %select_n3A_519 = arith.select %gt3A_516, %broadcast_in_dim3A_518, %select_n3A_510 : vector<1024x128xi1>, vector<1024x128xi32>
    %slice3A_520 = vector.extract_strided_slice %dot_general3A_19 {offsets = [0, 7168], sizes = [1024, 128], strides = [1, 1]} : vector<1024x8192xf32> to vector<1024x128xf32>
    %mul3A_521 = arith.constant 64 : i32
    %mul3A_522 = arith.muli %scan3A, %mul3A_521 : i32
    %add3A_523 = arith.constant 56 : i32
    %add3A_524 = arith.addi %mul3A_522, %add3A_523 : i32
    %gt3A_525 = arith.cmpf ogt, %slice3A_520, %select_n3A_517 : vector<1024x128xf32>
    %select_n3A_526 = arith.select %gt3A_525, %slice3A_520, %select_n3A_517 : vector<1024x128xi1>, vector<1024x128xf32>
    %broadcast_in_dim3A_527 = vector.broadcast %add3A_524 : i32 to vector<1024x128xi32>
    %select_n3A_528 = arith.select %gt3A_525, %broadcast_in_dim3A_527, %select_n3A_519 : vector<1024x128xi1>, vector<1024x128xi32>
    %slice3A_529 = vector.extract_strided_slice %dot_general3A_19 {offsets = [0, 7296], sizes = [1024, 128], strides = [1, 1]} : vector<1024x8192xf32> to vector<1024x128xf32>
    %mul3A_530 = arith.constant 64 : i32
    %mul3A_531 = arith.muli %scan3A, %mul3A_530 : i32
    %add3A_532 = arith.constant 57 : i32
    %add3A_533 = arith.addi %mul3A_531, %add3A_532 : i32
    %gt3A_534 = arith.cmpf ogt, %slice3A_529, %select_n3A_526 : vector<1024x128xf32>
    %select_n3A_535 = arith.select %gt3A_534, %slice3A_529, %select_n3A_526 : vector<1024x128xi1>, vector<1024x128xf32>
    %broadcast_in_dim3A_536 = vector.broadcast %add3A_533 : i32 to vector<1024x128xi32>
    %select_n3A_537 = arith.select %gt3A_534, %broadcast_in_dim3A_536, %select_n3A_528 : vector<1024x128xi1>, vector<1024x128xi32>
    %slice3A_538 = vector.extract_strided_slice %dot_general3A_19 {offsets = [0, 7424], sizes = [1024, 128], strides = [1, 1]} : vector<1024x8192xf32> to vector<1024x128xf32>
    %mul3A_539 = arith.constant 64 : i32
    %mul3A_540 = arith.muli %scan3A, %mul3A_539 : i32
    %add3A_541 = arith.constant 58 : i32
    %add3A_542 = arith.addi %mul3A_540, %add3A_541 : i32
    %gt3A_543 = arith.cmpf ogt, %slice3A_538, %select_n3A_535 : vector<1024x128xf32>
    %select_n3A_544 = arith.select %gt3A_543, %slice3A_538, %select_n3A_535 : vector<1024x128xi1>, vector<1024x128xf32>
    %broadcast_in_dim3A_545 = vector.broadcast %add3A_542 : i32 to vector<1024x128xi32>
    %select_n3A_546 = arith.select %gt3A_543, %broadcast_in_dim3A_545, %select_n3A_537 : vector<1024x128xi1>, vector<1024x128xi32>
    %slice3A_547 = vector.extract_strided_slice %dot_general3A_19 {offsets = [0, 7552], sizes = [1024, 128], strides = [1, 1]} : vector<1024x8192xf32> to vector<1024x128xf32>
    %mul3A_548 = arith.constant 64 : i32
    %mul3A_549 = arith.muli %scan3A, %mul3A_548 : i32
    %add3A_550 = arith.constant 59 : i32
    %add3A_551 = arith.addi %mul3A_549, %add3A_550 : i32
    %gt3A_552 = arith.cmpf ogt, %slice3A_547, %select_n3A_544 : vector<1024x128xf32>
    %select_n3A_553 = arith.select %gt3A_552, %slice3A_547, %select_n3A_544 : vector<1024x128xi1>, vector<1024x128xf32>
    %broadcast_in_dim3A_554 = vector.broadcast %add3A_551 : i32 to vector<1024x128xi32>
    %select_n3A_555 = arith.select %gt3A_552, %broadcast_in_dim3A_554, %select_n3A_546 : vector<1024x128xi1>, vector<1024x128xi32>
    %slice3A_556 = vector.extract_strided_slice %dot_general3A_19 {offsets = [0, 7680], sizes = [1024, 128], strides = [1, 1]} : vector<1024x8192xf32> to vector<1024x128xf32>
    %mul3A_557 = arith.constant 64 : i32
    %mul3A_558 = arith.muli %scan3A, %mul3A_557 : i32
    %add3A_559 = arith.constant 60 : i32
    %add3A_560 = arith.addi %mul3A_558, %add3A_559 : i32
    %gt3A_561 = arith.cmpf ogt, %slice3A_556, %select_n3A_553 : vector<1024x128xf32>
    %select_n3A_562 = arith.select %gt3A_561, %slice3A_556, %select_n3A_553 : vector<1024x128xi1>, vector<1024x128xf32>
    %broadcast_in_dim3A_563 = vector.broadcast %add3A_560 : i32 to vector<1024x128xi32>
    %select_n3A_564 = arith.select %gt3A_561, %broadcast_in_dim3A_563, %select_n3A_555 : vector<1024x128xi1>, vector<1024x128xi32>
    %slice3A_565 = vector.extract_strided_slice %dot_general3A_19 {offsets = [0, 7808], sizes = [1024, 128], strides = [1, 1]} : vector<1024x8192xf32> to vector<1024x128xf32>
    %mul3A_566 = arith.constant 64 : i32
    %mul3A_567 = arith.muli %scan3A, %mul3A_566 : i32
    %add3A_568 = arith.constant 61 : i32
    %add3A_569 = arith.addi %mul3A_567, %add3A_568 : i32
    %gt3A_570 = arith.cmpf ogt, %slice3A_565, %select_n3A_562 : vector<1024x128xf32>
    %select_n3A_571 = arith.select %gt3A_570, %slice3A_565, %select_n3A_562 : vector<1024x128xi1>, vector<1024x128xf32>
    %broadcast_in_dim3A_572 = vector.broadcast %add3A_569 : i32 to vector<1024x128xi32>
    %select_n3A_573 = arith.select %gt3A_570, %broadcast_in_dim3A_572, %select_n3A_564 : vector<1024x128xi1>, vector<1024x128xi32>
    %slice3A_574 = vector.extract_strided_slice %dot_general3A_19 {offsets = [0, 7936], sizes = [1024, 128], strides = [1, 1]} : vector<1024x8192xf32> to vector<1024x128xf32>
    %mul3A_575 = arith.constant 64 : i32
    %mul3A_576 = arith.muli %scan3A, %mul3A_575 : i32
    %add3A_577 = arith.constant 62 : i32
    %add3A_578 = arith.addi %mul3A_576, %add3A_577 : i32
    %gt3A_579 = arith.cmpf ogt, %slice3A_574, %select_n3A_571 : vector<1024x128xf32>
    %select_n3A_580 = arith.select %gt3A_579, %slice3A_574, %select_n3A_571 : vector<1024x128xi1>, vector<1024x128xf32>
    %broadcast_in_dim3A_581 = vector.broadcast %add3A_578 : i32 to vector<1024x128xi32>
    %select_n3A_582 = arith.select %gt3A_579, %broadcast_in_dim3A_581, %select_n3A_573 : vector<1024x128xi1>, vector<1024x128xi32>
    %slice3A_583 = vector.extract_strided_slice %dot_general3A_19 {offsets = [0, 8064], sizes = [1024, 128], strides = [1, 1]} : vector<1024x8192xf32> to vector<1024x128xf32>
    %mul3A_584 = arith.constant 64 : i32
    %mul3A_585 = arith.muli %scan3A, %mul3A_584 : i32
    %add3A_586 = arith.constant 63 : i32
    %add3A_587 = arith.addi %mul3A_585, %add3A_586 : i32
    %gt3A_588 = arith.cmpf ogt, %slice3A_583, %select_n3A_580 : vector<1024x128xf32>
    %select_n3A_589 = arith.select %gt3A_588, %slice3A_583, %select_n3A_580 : vector<1024x128xi1>, vector<1024x128xf32>
    %broadcast_in_dim3A_590 = vector.broadcast %add3A_587 : i32 to vector<1024x128xi32>
    %select_n3A_591 = arith.select %gt3A_588, %broadcast_in_dim3A_590, %select_n3A_582 : vector<1024x128xi1>, vector<1024x128xi32>
    %scan3A_592 = arith.constant 1 : i32
    %reduce_max3A = arith.constant dense<0xFF800000> : vector<1024xf32>
    %reduce_max3A_593 = vector.multi_reduction <maximumf>, %select_n3A_589, %reduce_max3A [1] : vector<1024x128xf32> to vector<1024xf32>
    %broadcast_in_dim3A_594 = vector.shape_cast %reduce_max3A_593 : vector<1024xf32> to vector<1024x1xf32>
    %iota3A = tpu.iota {dimensions = array<i32: 1>} : vector<1024x128xi32>
    %mul3A_595 = arith.constant 128 : i32
    %mul3A_596 = vector.broadcast %mul3A_595 : i32 to vector<1024x128xi32>
    %mul3A_597 = arith.muli %select_n3A_591, %mul3A_596 : vector<1024x128xi32>
    %add3A_598 = arith.addi %mul3A_597, %iota3A : vector<1024x128xi32>
    %eq3A = vector.broadcast %broadcast_in_dim3A_594 : vector<1024x1xf32> to vector<1024x128xf32>
    %eq3A_599 = arith.cmpf oeq, %select_n3A_589, %eq3A : vector<1024x128xf32>
    %jit3A = arith.constant 2147483647 : i32
    %broadcast_in_dim3A_600 = vector.broadcast %jit3A : i32 to vector<1024x128xi32>
    %select_n3A_601 = arith.select %eq3A_599, %add3A_598, %broadcast_in_dim3A_600 : vector<1024x128xi1>, vector<1024x128xi32>
    %reduce_min3A = arith.constant dense<2147483647> : vector<1024xi32>
    %reduce_min3A_602 = vector.multi_reduction <minsi>, %select_n3A_601, %reduce_min3A [1] : vector<1024x128xi32> to vector<1024xi32>
    %swap3A = arith.constant 0 : index
    %swap3A_603 = vector.load %arg3[%swap3A] : memref<1024xi32, #tpu.memory_space<vmem>>, vector<1024xi32>
    tpu.vector_store %arg3[%swap3A], %reduce_min3A_602 {strides = array<i32>} : memref<1024xi32, #tpu.memory_space<vmem>>, vector<1024xi32>,
    return
  }
  func.func @transform_0(%arg0: i32) -> (i32, i32) {
    %c0_i32 = arith.constant 0 : i32
    %c0_i32_0 = arith.constant 0 : i32
    return %arg0, %c0_i32 : i32, i32
  }
  func.func @transform_1(%arg0: i32) -> (i32, i32) {
    %c0_i32 = arith.constant 0 : i32
    %c0_i32_0 = arith.constant 0 : i32
    %c0_i32_1 = arith.constant 0 : i32
    return %c0_i32, %c0_i32_0 : i32, i32
  }
  func.func @transform_2(%arg0: i32) -> i32 {
    %c0_i32 = arith.constant 0 : i32
    return %arg0 : i32
  }
}

module attributes {stable_mosaic.version = 14 : i64} {
  func.func @_ste_kernel(%arg0: i32, %arg1: memref<1x32x1024xf32, #tpu.memory_space<vmem>>, %arg2: memref<1x1024x32xf32, #tpu.memory_space<vmem>>, %arg3: memref<1x32x1024xf32, #tpu.memory_space<vmem>>) attributes {dimension_semantics = [#tpu.dimension_semantics<arbitrary>], iteration_bounds = array<i64: 16>, scalar_prefetch = 0 : i64, scratch_operands = 0 : i64, tpu.core_type = #tpu.core_type<tc>, window_params = [{transform_indices = @transform_0, window_bounds = array<i64: 1, 32, 1024>}, {transform_indices = @transform_1, window_bounds = array<i64: 1, 1024, 32>}, {transform_indices = @transform_2, window_bounds = array<i64: 1, 32, 1024>}]} {
    %get3A = arith.constant 0 : index
    %get3A_0 = arith.constant 0 : index
    %get3A_1 = arith.constant 0 : index
    %get3A_2 = vector.load %arg1[%get3A, %get3A_0, %get3A_1] : memref<1x32x1024xf32, #tpu.memory_space<vmem>>, vector<1x32x1024xf32>
    %get3A_3 = vector.shape_cast %get3A_2 : vector<1x32x1024xf32> to vector<32x1024xf32>
    %get3A_4 = arith.constant 0 : index
    %get3A_5 = arith.constant 0 : index
    %get3A_6 = arith.constant 0 : index
    %get3A_7 = vector.load %arg2[%get3A_4, %get3A_5, %get3A_6] : memref<1x1024x32xf32, #tpu.memory_space<vmem>>, vector<1x1024x32xf32>
    %get3A_8 = vector.shape_cast %get3A_7 : vector<1x1024x32xf32> to vector<1024x32xf32>
    %iota3A = tpu.iota {dimensions = array<i32: 0>} : vector<32x32xi32>
    %iota3A_9 = tpu.iota {dimensions = array<i32: 1>} : vector<32x32xi32>
    %eq3A = arith.cmpi eq, %iota3A, %iota3A_9 : vector<32x32xi32>
    %convert_element_type3A = arith.extui %eq3A : vector<32x32xi1> to vector<32x32xi32>
    %convert_element_type3A_10 = arith.sitofp %convert_element_type3A : vector<32x32xi32> to vector<32x32xf32>
    %dot_general3A = arith.constant dense<0.000000e+00> : vector<32x1024xf32>
    %dot_general3A_11 = tpu.matmul %convert_element_type3A_10, %get3A_8, %dot_general3A {dimension_numbers = #tpu.dot_dimension_numbers<[1], [1], [0], [0], [0, 0, 1, 0], [], []>, precision = #tpu.contract_precision<fp32>, transpose_lhs_hint = false} : vector<32x32xf32>, vector<1024x32xf32>, vector<32x1024xf32> -> vector<32x1024xf32>
    %sub3A = arith.subf %dot_general3A_11, %get3A_3 : vector<32x1024xf32>
    %add3A = arith.addf %get3A_3, %sub3A : vector<32x1024xf32>
    %swap3A = arith.constant 0 : index
    %swap3A_12 = arith.constant 0 : index
    %swap3A_13 = arith.constant 0 : index
    %swap3A_14 = vector.load %arg3[%swap3A, %swap3A_12, %swap3A_13] : memref<1x32x1024xf32, #tpu.memory_space<vmem>>, vector<1x32x1024xf32>
    %swap3A_15 = vector.shape_cast %swap3A_14 : vector<1x32x1024xf32> to vector<32x1024xf32>
    %swap3A_16 = vector.shape_cast %add3A : vector<32x1024xf32> to vector<1x32x1024xf32>
    tpu.vector_store %arg3[%swap3A, %swap3A_12, %swap3A_13], %swap3A_16 {strides = array<i32>} : memref<1x32x1024xf32, #tpu.memory_space<vmem>>, vector<1x32x1024xf32>,
    return
  }
  func.func @transform_0(%arg0: i32) -> (i32, i32, i32) {
    %c0_i32 = arith.constant 0 : i32
    %c0_i32_0 = arith.constant 0 : i32
    %c0_i32_1 = arith.constant 0 : i32
    return %arg0, %c0_i32, %c0_i32_0 : i32, i32, i32
  }
  func.func @transform_1(%arg0: i32) -> (i32, i32, i32) {
    %c0_i32 = arith.constant 0 : i32
    %c0_i32_0 = arith.constant 0 : i32
    %c0_i32_1 = arith.constant 0 : i32
    return %arg0, %c0_i32, %c0_i32_0 : i32, i32, i32
  }
  func.func @transform_2(%arg0: i32) -> (i32, i32, i32) {
    %c0_i32 = arith.constant 0 : i32
    %c0_i32_0 = arith.constant 0 : i32
    %c0_i32_1 = arith.constant 0 : i32
    return %arg0, %c0_i32, %c0_i32_0 : i32, i32, i32
  }
}

</mosaic_0001>

<sc_bundles>
// kernel: kernel.5.cloned.1.call-start
scs
__scs_entry_jumppad:
0x0: {  	(pc) =	sbr.rel $0x88, $3  }
0x1: {  	(tag) =	ssettag $0x0;
	lr =	simm.s32 $0x1  }
0x2: {  	[smem:$0x3F9F] =	sst lr;
	_ =	strace $0xD0000000  }
0x3: {  	_ = 	snop  }
0x4: {  	_ = 	snop  }
0x5: {  	_ = 	snop  }
0x6: {  	_ = 	snop  }
0x7: {  	_ = 	snop  }
__scs_overlays_trampoline_lowered:
0x8: {  	[smem:$0x3FAE] =	sst s0  }
0x9: {  	[smem:$0x3FAF] =	sst s1  }
0xa: {  	[smem:$0x3FB0] =	sst s2  }
0xb: {  	[smem:$0x3FB1] =	sst s3  }
0xc: {  	[smem:$0x3FB2] =	sst s4  }
0xd: {  	[smem:$0x3FB3] =	sst s5  }
0xe: {  	[smem:$0x3FB4] =	sst s6  }
0xf: {  	[smem:$0x3FB5] =	sst s7  }
0x10: {  	[smem:$0x3FB6] =	sst s8  }
0x11: {  	[smem:$0x3FB7] =	sst s9;
	s0 =	simm.s32 @!p0 $0x0  }
0x12: {  	s1 =	sld [smem:$0x3F9D];
	s0 =	simm.s32 @p0 $0x1  }
0x13: {  	[smem:$0x3FB8] =	sst s0;
	s0 =	simm.s32 @!p1 $0x0  }
0x14: {  	s2 =	sld [smem:$0x3F9C];
	s0 =	simm.s32 @p1 $0x1  }
0x15: {  	[smem:$0x3FB9] =	sst s0;
	s0 =	simm.s32 @!p2 $0x0  }
0x16: {  	s3 =	sld [smem:$0x3FDB];
	s0 =	simm.s32 @p2 $0x1  }
0x17: {  	s4 =	simm.s32 $0x1BF5;
	[smem:$0x3FBB] =	sst s0  }
0x18: {  	s0 =	sld [smem:$0x3F9E];
	_ =	swait.ge [sflag:s4], $0x0  }
0x19: {  	s7 =	sld [smem:$0x3F9F]  }
0x1a: {  	s8 =	sadd.s32 $0xFFFFE003, lr  }
0x1b: {  	s9 =	sadd.s32 $0xFFFFFEF7, lr;
	s5 =	simm.s32 $0xFFFFFFFF;
	p2 =	slt.u32 s8, $0xFFFFF086  }
0x1c: {  	p1 =	slt.u32 s9, $0xF7A;
	s5 =	simm.s32 @!p2 $0x0  }
0x1d: {  	s5 =	simm.s32 @p1 $0x1;
	p0 =	seq.s32 s7, s2  }
0x1e: {  	s7 =	smul.u32 @!p0 $0xF7A, s2;
	p2 =	seq.s32 @!p0 s5, $0x0  }
0x1f: {  	s9 =	smul.u32 $0xF7A, s1;
	s8 =	simm.s32 @!p0 $0x1BF5;
	p2 =	por !p2, p0  }
0x20: {  	[sflag:s8] =	ssyncset.s32 @!p0 $0xFFFFF086;
	s6 =	sadd.s32 @!p0 s3, s7;
	s7 =	simm.s32 @!p0 $0x108  }
0x21: {  	s3 =	sadd.s32 s3, s9;
	s6 =	sadd.s32 @!p0 $0x88, s6;
	s7 =	simm.s32 @p2 $0x1082  }
0x22: {  	[simem:s7], [sflag:s8] =	dma.local @!p0 [hbm:s6], $0xF7A  }
0x23: {  	s9 =	sor.u32 $0xD0000000, s2;
	s6 =	simm.s32 $0x108;
	_ =	swait.ge @!p0 [sflag:s8], $0x0  }
0x24: {  	s3 =	sadd.s32 $0x88, s3;
	s6 =	simm.s32 @!p1 $0x1082;
	[sflag:s4] =	ssyncset.s32 $0xFFFFF086  }
0x25: {  	[simem:s6], [sflag:s4] =	dma.local [hbm:s3], $0xF7A  }
0x26: {  	[smem:$0x3F9F] =	sst s1;
	(tag) =	ssettag s2;
	_ =	strace s9  }
0x27: {  	s1 =	sld [smem:$0x3FAF]  }
0x28: {  	s2 =	sld [smem:$0x3FB0]  }
0x29: {  	s4 =	sld [smem:$0x3FB2]  }
0x2a: {  	p0 =	seq.s32 s5, $0x0;
	s5 =	sld [smem:$0x3FB3]  }
0x2b: {  	s6 =	sld [smem:$0x3FB4]  }
0x2c: {  	s7 =	sld [smem:$0x3FB5]  }
0x2d: {  	s3 =	simm.s32 $0x108;
	s8 =	sld [smem:$0x3FB6]  }
0x2e: {  	s3 =	simm.s32 @!p0 $0x1082;
	s9 =	sld [smem:$0x3FB7]  }
0x2f: {  	lr =	sadd.s32 s0, s3;
	s0 =	sld [smem:$0x3FAE]  }
0x30: {  	s3 =	sld [smem:$0x3FB1]  }
0x31: {  	[smem:$0x3FBA] =	sst s10  }
0x32: {  	s10 =	sld [smem:$0x3FB8];
	_ =	sdelay $0x3  }
0x33: {  	p0 =	seq.s32 s10, $0x1;
	s10 =	sld [smem:$0x3FBA];
	_ =	sdelay $0x3  }
0x34: {  	[smem:$0x3FBA] =	sst s10  }
0x35: {  	s10 =	sld [smem:$0x3FB9];
	_ =	sdelay $0x3  }
0x36: {  	p1 =	seq.s32 s10, $0x1;
	s10 =	sld [smem:$0x3FBA];
	_ =	sdelay $0x3  }
0x37: {  	[smem:$0x3FBA] =	sst s10  }
0x38: {  	s10 =	sld [smem:$0x3FBB]  }
0x39: {  	_ = 	snop;
	(pc) =	sbr.ind lr, $3  }
0x3a: {  	_ = 	snop  }
0x3b: {  	_ = 	snop  }
0x3c: {  	p2 =	seq.s32 s10, $0x1;
	s10 =	sld [smem:$0x3FBA]  }
0x3d: {  	_ =	shalt  }
0x3e: {  	_ =	shalt  }
0x3f: {  	_ =	shalt  }
0x40: {  	_ =	shalt  }
0x41: {  	_ =	shalt  }
0x42: {  	_ =	shalt  }
0x43: {  	_ =	shalt  }
0x44: {  	_ =	shalt  }
0x45: {  	_ =	shalt  }
0x46: {  	_ =	shalt  }
0x47: {  	_ =	shalt  }
0x48: {  	_ =	shalt  }
0x49: {  	_ =	shalt  }
0x4a: {  	_ =	shalt  }
0x4b: {  	_ =	shalt  }
0x4c: {  	_ =	shalt  }
0x4d: {  	_ =	shalt  }
0x4e: {  	_ =	shalt  }
0x4f: {  	_ =	shalt  }
0x50: {  	_ =	shalt  }
0x51: {  	_ =	shalt  }
0x52: {  	_ =	shalt  }
0x53: {  	_ =	shalt  }
0x54: {  	_ =	shalt  }
0x55: {  	_ =	shalt  }
0x56: {  	_ =	shalt  }
0x57: {  	_ =	shalt  }
0x58: {  	_ =	shalt  }
0x59: {  	_ =	shalt  }
0x5a: {  	_ =	shalt  }
0x5b: {  	_ =	shalt  }
0x5c: {  	_ =	shalt  }
0x5d: {  	_ =	shalt  }
0x5e: {  	_ =	shalt  }
0x5f: {  	_ =	shalt  }
0x60: {  	_ =	shalt  }
0x61: {  	_ =	shalt  }
0x62: {  	_ =	shalt  }
0x63: {  	_ =	shalt  }
0x64: {  	_ =	shalt  }
0x65: {  	_ =	shalt  }
0x66: {  	_ =	shalt  }
0x67: {  	_ =	shalt  }
0x68: {  	_ =	shalt  }
0x69: {  	_ =	shalt  }
0x6a: {  	_ =	shalt  }
0x6b: {  	_ =	shalt  }
0x6c: {  	_ =	shalt  }
0x6d: {  	_ =	shalt  }
0x6e: {  	_ =	shalt  }
0x6f: {  	_ =	shalt  }
0x70: {  	_ =	shalt  }
0x71: {  	_ =	shalt  }
0x72: {  	_ =	shalt  }
0x73: {  	_ =	shalt  }
0x74: {  	_ =	shalt  }
0x75: {  	_ =	shalt  }
0x76: {  	_ =	shalt  }
0x77: {  	_ =	shalt  }
0x78: {  	_ =	shalt  }
0x79: {  	_ =	shalt  }
0x7a: {  	_ =	shalt  }
0x7b: {  	_ =	shalt  }
0x7c: {  	_ =	shalt  }
0x7d: {  	_ =	shalt  }
0x7e: {  	_ =	shalt  }
0x7f: {  	_ =	shalt  }
0x80: {  	_ =	shalt  }
0x81: {  	_ =	shalt  }
0x82: {  	_ =	shalt  }
0x83: {  	_ =	shalt  }
0x84: {  	_ =	shalt  }
0x85: {  	_ =	shalt  }
0x86: {  	_ =	shalt  }
0x87: {  	_ =	shalt  }
.Lfunc_end0:
.L_simem_size_0:
called_computation_lowered:
.L_overlay_start_0:
0x88: {  	s2 =	sld [smem:$0x3FD9]  }
0x89: {  	s3 =	sld [smem:$0x3FFE];
	_ =	sdelay $0x1  }
0x8a: {  	s1 =	srdreg.scid  }
0x8b: {  	s0 =	sand.u32 $0x1, s1  }
0x8c: {  	s14 =	sshll.u32 s0, $0xA;
	s2 =	sadd.s32 s3, s2  }
0x8d: {  	s2 =	sadd.s32 s2, s14  }
0x8e: {  	[smem:$0x3FC6] =	sst s2  }
0x8f: {  	_ = 	snop  }
0x90: {  	s2 =	sld [smem:$0x3FD0];
	_ =	sdelay $0x2  }
0x91: {  	s15 =	simm.s32 $0xA;
	s4 =	simm.s32 $0x10  }
0x92: {  	[smem:s4], [sflag:s15] =	dma.local [hbm:s2], $0x1  }
0x93: {  	_ =	swait.eq [sflag:s15], $0x1  }
0x94: {  	[sflag:s15] =	ssyncset.done $0x0  }
0x95: {  	s16 =	sld [smem:$0x10];
	[sflag:s15] =	ssyncadd.s32 $0xFFFFFFFF  }
0x96: {  	s17 =	sld [smem:$0x11];
	(tm) =	ssettm $0x1  }
0x97: {  	s18 =	sld [smem:$0x3FFB];
	_ =	sdelay $0x3  }
0x98: {  	_ =	strace s18  }
0x99: {  	s4 =	sld [smem:$0x3FFC];
	_ =	sdelay $0x3  }
0x9a: {  	_ =	strace s4  }
0x9b: {  	s4 =	sld [smem:$0x3FFD];
	_ =	sdelay $0x3  }
0x9c: {  	_ =	strace s4  }
0x9d: {  	_ =	strace $0x8FFFFFFF  }
0x9e: {  	s19 =	sld [smem:$0x3FDB];
	_ =	sdelay $0x1  }
0x9f: {  	s5 =	simm.s32 $_scs_section_size  }
0xa0: {  	s6 =	simm.s32 $_size__tile_overlayer_lowered;
	s7 =	simm.s32 $_tile_overlayer_lowered  }
0xa1: {  	s22 =	simm.s32 $0x1BFF;
	s21 =	sshll.u32 s7, $0x1;
	s4 =	sadd.s32 s5, s19  }
0xa2: {  	s8 =	simm.s32 $0x0;
	s20 =	sshll.u32 s6, $0x1;
	s6 =	sadd.s32 s21, s4  }
0xa3: {  	[timem:s8], [sflag:s22] =	dma.local [hbm:s6], s20  }
0xa4: {  	_ =	swait.ge [sflag:s22], s20  }
0xa5: {  	s5 =	ssub.s32 $0x0, s20;
	[sflag:s22] =	ssyncset.done $0x0  }
0xa6: {  	[sflag:s22] =	ssyncadd.s32 s5;
	_ =	sdelay $0x1  }
0xa7: {  	s23 =	simm.s32 $0x1B8B  }
0xa8: {  	_ =	swait.ge [sflag:s23], $0x1  }
0xa9: {  	[sflag:s23] =	ssyncset.done $0x0  }
0xaa: {  	s25 =	simm.s32 $0x1B8E;
	s24 =	sld [smem:$0x3FFE];
	[sflag:s23] =	ssyncadd.s32 $0xFFFFFFFF  }
0xab: {  	s26 =	simm.s32 $execute0_lowered;
	[smem:$0x3FD2] =	sst s25  }
0xac: {  	s6 =	sshll.u32 s26, $0x1;
	_ =	strace $0x80000046;
	[dreg:$0x1] =	wrdreg $0xFFFFFFFF  }
0xad: {  	s28 =	simm.s32 $_size_execute0_lowered;
	s4 =	sadd.s32 s4, s6;
	[dreg:$0x0] =	wrdreg $0x0  }
0xae: {  	s6 =	sshll.u32 s28, $0x1;
	[dreg:$0x2] =	wrdreg s4  }
0xaf: {  	[dreg:$0x3] =	wrdreg s6  }
0xb0: {  	[dreg:$0x4] =	wrdreg $0xC0  }
0xb1: {  	_ =	task [dreg:s8], $0x5FFFF  }
0xb2: {  	[dreg:$0x1] =	wrdreg $0xFFFFFFFF  }
0xb3: {  	[dreg:$0x0] =	wrdreg $0x60  }
0xb4: {  	[dreg:$0x2] =	wrdreg s24  }
0xb5: {  	[dreg:$0x3] =	wrdreg s17  }
0xb6: {  	[dreg:$0x4] =	wrdreg s16  }
0xb7: {  	[dreg:$0x5] =	wrdreg $0x9  }
0xb8: {  	_ =	task.clear_ibuf [dreg:s8], $0x6FFFF;
	_ =	strace $0x90000046  }
0xb9: {  	s29 =	simm.s32 $0x9;
	_ =	strace $0x80000048  }
0xba: {  	_ =	swait.ge [sflag:s29], $0x1  }
0xbb: {  	[sflag:s29] =	ssyncadd.s32 $0xFFFFFFFF  }
0xbc: {  	_ =	strace $0x90000048  }
0xbd: {  	_ =	sfence  }
0xbe: {  	s30 =	sld [smem:$0x0];
	_ =	sdelay $0x2  }
0xbf: {  	s31 =	sshll.u32 s1, $0xD;
	s1 =	sshrl.u32 s1, $0x2  }
0xc0: {  	s3 =	sand.u32 $0x4000, s31;
	s1 =	sadd.s32 s1, s30  }
0xc1: {  	s0 =	sor.u32 s3, s0;
	s1 =	sshll.u32 s1, $0x11  }
0xc2: {  	s0 =	sor.u32 s1, s0  }
0xc3: {  	s0 =	sadd.s32 $0x8F2B, s0  }
0xc4: {  	[sflag:s0] =	ssyncadd.remote.s32 $0x1  }
0xc5: {  	_ =	sfence.sel $0xFFFF  }
0xc6: {  	[dreg:$0x0] =	wrdreg $0xFFFFFFFF;
	(pc) =	sbr.abs _section_cstart, $3  }
0xc7: {  	[dreg:$0x1] =	wrdreg $0xFFFFFFFF  }
0xc8: {  	_ =	task.clear_ibuf [dreg:s8], $0x2FFFF;
	_ =	strace $0x9FFFFFFF  }
0xc9: {  	(tm) =	ssettm $0x7FFFFFFF  }
tec
execute0_lowered:
.L_overlay_start_1:
0x0: {  	(tag) =	ssettag $0x1  }
0x1: {  	s5 =	rddreg [dreg:$0x0]  }
0x2: {  	s3 =	rddreg [dreg:$0x1]  }
0x3: {  	s1 =	srdreg.scid;
	s0 =	stileid.u32  }
0x4: {  	s14 =	rddreg [dreg:$0x2];
	s15 =	sand.u32 $0x1, s1;
	s4 =	sshll.u32 s0, $0x1  }
0x5: {  	s2 =	simm.s32 $0x0;
	s1 =	rddreg [dreg:$0x3];
	s16 =	sor.u32 s15, s4  }
0x6: {  	[smem:$0x7FF] =	sst s2;
	s4 =	sshll.u32 s16, $0x6  }
0x7: {  	_ =	strace $0x80000047;
	s4 =	sadd.s32 s3, s4;
	s3 =	simm.s32 $0x2  }
0x8: {  	[tilespmem:s2], [sflag:$0x2] =	stream.linear.gather [hbm4b:s4+s2], $0x200, $0x38;
	[tilespmem:$0x4200] =	vst v63  }
0x9: {  	_ =	swait.ge [sflag:s3], $0x200  }
0xa: {  	s6 =	simm.s32 $0x80;
	[sflag:s3] =	ssyncset.done $0x0  }
0xb: {  	s7 =	simm.s32 $0x200;
	s5 =	sadd.s32 $0x600, s5;
	[sflag:s3] =	ssyncadd.s32 $0xFFFFFE00  }
0xc: {  	[tilespmem:s7], [sflag:$0x1] =	stream.indirect.gather [hbm4b:s5+s6], $0x20, s2, s6, $0xb8;
	[tilespmem:$0x4200] =	vst v63  }
0xd: {  	s8 =	simm.s32 $0x1200  }
0xe: {  	[tilespmem:s8], [sflag:$0x1] =	stream.indirect.gather [hbm4b:s5+s6], $0x20, s6, s6, $0xb8;
	[tilespmem:$0x4200] =	vst v63  }
0xf: {  	s9 =	simm.s32 $0x100;
	s10 =	simm.s32 $0x2200  }
0x10: {  	[tilespmem:s10], [sflag:$0x1] =	stream.indirect.gather [hbm4b:s5+s6], $0x20, s9, s6, $0xb8;
	[tilespmem:$0x4200] =	vst v63  }
0x11: {  	s11 =	simm.s32 $0x180;
	s12 =	simm.s32 $0x3200;
	s13 =	simm.s32 $0x1  }
0x12: {  	[tilespmem:s12], [sflag:$0x1] =	stream.indirect.gather [hbm4b:s5+s6], $0x20, s11, s6, $0xb8;
	[tilespmem:$0x4200] =	vst v63  }
0x13: {  	_ =	swait.ge [sflag:s13], $0x1000  }
0x14: {  	[sflag:s13] =	ssyncset.done $0x0  }
0x15: {  	[sflag:s13] =	ssyncadd.s32 $0xFFFFF000  }
0x16: {  	_ =	swait.ge [sflag:s13], $0x1000  }
0x17: {  	[sflag:s13] =	ssyncset.done $0x0  }
0x18: {  	s15 =	ssub.s32 $0x2, s15;
	[sflag:s13] =	ssyncadd.s32 $0xFFFFF000  }
0x19: {  	s17 =	sshrl.u32 s15, $0x1;
	_ =	swait.ge [sflag:s13], $0x1000  }
0x1a: {  	s15 =	ssub.s32 s15, s17;
	[sflag:s13] =	ssyncset.done $0x0  }
0x1b: {  	s15 =	smax.u32 s15, $0x1;
	[sflag:s13] =	ssyncadd.s32 $0xFFFFF000  }
0x1c: {  	p0 =	sne.s32 s15, $0x1;
	_ =	swait.ge [sflag:s13], $0x1000  }
.Ltmp0:
0x1d: {  	s16 =	sshll.u32 s16, $0xB;
	[sflag:s13] =	ssyncset.done $0x0;
	(pc) =	sbr.rel @!p0 .LBB2_2-.Ltmp0, $4  }
0x1e: {  	s14 =	sadd.s32 s14, s16;
	[sflag:s13] =	ssyncadd.s32 $0xFFFFF000  }
0x1f: {  	[hbm4b:s14+s2] =	stream.linear.scatter [tilespmem:s7], [sflag:$0x2], $0x4000, $0x38;
	[tilespmem:$0x4200] =	vst v63  }
0x20: {  	_ =	swait.ge [sflag:s3], $0x4000  }
0x21: {  	s15 =	sadd.s32 $0xFFFFFFFF, s15;
	[sflag:s3] =	ssyncset.done $0x0  }
.LBB2_1:
0x22: {  	p0 =	sne.s32 s15, $0x1;
	s15 =	sadd.s32 $0xFFFFFFFF, s15;
	[sflag:s3] =	ssyncadd.s32 $0xFFFFC000  }
0x23: {  	[tilespmem:s2], [sflag:$0x2] =	stream.linear.gather [hbm4b:s4+s2], $0x200, $0x38;
	[tilespmem:$0x4200] =	vst v63  }
0x24: {  	_ =	swait.ge [sflag:s3], $0x200  }
0x25: {  	[sflag:s3] =	ssyncset.done $0x0  }
0x26: {  	[sflag:s3] =	ssyncadd.s32 $0xFFFFFE00  }
0x27: {  	[tilespmem:s7], [sflag:$0x1] =	stream.indirect.gather [hbm4b:s5+s6], $0x20, s2, s6, $0xb8;
	[tilespmem:$0x4200] =	vst v63  }
0x28: {  	_ = 	snop  }
0x29: {  	[tilespmem:s8], [sflag:$0x1] =	stream.indirect.gather [hbm4b:s5+s6], $0x20, s6, s6, $0xb8;
	[tilespmem:$0x4200] =	vst v63  }
0x2a: {  	_ = 	snop  }
0x2b: {  	[tilespmem:s10], [sflag:$0x1] =	stream.indirect.gather [hbm4b:s5+s6], $0x20, s9, s6, $0xb8;
	[tilespmem:$0x4200] =	vst v63  }
0x2c: {  	_ = 	snop  }
0x2d: {  	[tilespmem:s12], [sflag:$0x1] =	stream.indirect.gather [hbm4b:s5+s6], $0x20, s11, s6, $0xb8;
	[tilespmem:$0x4200] =	vst v63  }
0x2e: {  	_ =	swait.ge [sflag:s13], $0x1000  }
0x2f: {  	[sflag:s13] =	ssyncset.done $0x0  }
0x30: {  	[sflag:s13] =	ssyncadd.s32 $0xFFFFF000  }
0x31: {  	_ =	swait.ge [sflag:s13], $0x1000  }
0x32: {  	[sflag:s13] =	ssyncset.done $0x0  }
0x33: {  	[sflag:s13] =	ssyncadd.s32 $0xFFFFF000  }
0x34: {  	_ =	swait.ge [sflag:s13], $0x1000  }
0x35: {  	[sflag:s13] =	ssyncset.done $0x0  }
0x36: {  	[sflag:s13] =	ssyncadd.s32 $0xFFFFF000  }
0x37: {  	_ =	swait.ge [sflag:s13], $0x1000  }
.Ltmp1:
0x38: {  	[sflag:s13] =	ssyncset.done $0x0;
	(pc) =	sbr.rel @p0 .LBB2_1-.Ltmp1, $4  }
0x39: {  	[sflag:s13] =	ssyncadd.s32 $0xFFFFF000  }
0x3a: {  	[hbm4b:s14+s2] =	stream.linear.scatter [tilespmem:s7], [sflag:$0x2], $0x4000, $0x38;
	[tilespmem:$0x4200] =	vst v63  }
0x3b: {  	_ =	swait.ge [sflag:s3], $0x4000  }
0x3c: {  	[sflag:s3] =	ssyncset.done $0x0  }
.LBB2_2:
0x3d: {  	[sflag:s3] =	ssyncadd.s32 $0xFFFFC000  }
0x3e: {  	_ =	sfence.sel $0x180000  }
0x3f: {  	[bflag:$0x0] =	sbarrier.arrive $0xFFFF  }
0x40: {  	p0 =	sne.s32 s0, $0x0;
	_ =	strace $0x90000047  }
0x41: {  	s0 =	sadd.s32 @!p0 $0x100000, s1;
	[bflag:$0x2] =	sbarrier.arrive $0xFFFF  }
0x42: {  	[sflag:s0] =	ssyncadd.tile.s32 @!p0 $0x1;
	_ =	shalt  }
.Lfunc_end2:
_tile_overlayer_lowered:
.L_overlay_start_2:
0x43: {  	(tag) =	ssettag $0x2  }
0x44: {  	s0 =	rddreg [dreg:$0x0];
	s2 =	stileid.u32  }
0x45: {  	s1 =	rddreg [dreg:$0x1];
	p0 =	sne.s32 s2, $0x0  }
0x46: {  	s3 =	rddreg [dreg:$0x2];
	[bflag:$0x3] =	sbarrier.arrive $0xFFFF;
	s2 =	simm.s32 @!p0 $0x1C02  }
0x47: {  	[timem:s3], [sflag:s2] =	dma.local @!p0 [hbm:s0], s1  }
0x48: {  	s0 =	simm.s32 @!p0 $0x2  }
0x49: {  	_ =	swait.ge @!p0 [sflag:s0], s1  }
0x4a: {  	s1 =	ssub.s32 @!p0 $0x0, s1;
	[sflag:s0] =	ssyncset.done @!p0 $0x0  }
0x4b: {  	[sflag:s0] =	ssyncadd.s32 @!p0 s1  }
0x4c: {  	[bflag:$0x3] =	sbarrier.arrive $0xFFFF  }
0x4d: {  	_ =	shalt  }

</sc_bundles>
